<compile_context>
chip_gen: v7x
topology: tpu7x:2x2x1
jax: 0.10.2.dev20260603
libtpu: 0.0.44.dev20260713+nightly
codegen_flags: <defaults>
</compile_context>

<pallas_src>
import functools
import jax
import jax.numpy as jnp
from jax import lax
from jax.experimental import pallas as pl
from jax.experimental.pallas import tpu as pltpu
from jax.experimental.pallas import tpu_sc as plsc

B, N, F = 16, 4096, 512
E = 64
HI = 2048
TE = E // 2
LANES = 16
CPR = F // LANES

_mesh = plsc.VectorSubcoreMesh(core_axis_name="c", subcore_axis_name="s")


@functools.partial(
    pl.kernel,
    mesh=_mesh,
    out_type=jax.ShapeDtypeStruct((B, E, F), jnp.float32),
    scratch_types=[
        pltpu.VMEM((TE, F), jnp.float32),
        pltpu.VMEM((TE, F), jnp.float32),
        pltpu.SemaphoreType.DMA,
    ],
)
def _sc_midpoints(x_hbm, nv_hbm, lo_v, hi_v, sem):
    cid = lax.axis_index("c")
    sid = lax.axis_index("s")
    b = sid
    t0 = cid * TE

    ld_lo = pltpu.make_async_copy(x_hbm.at[b, pl.ds(t0, TE), :], lo_v, sem)
    ld_hi = pltpu.make_async_copy(x_hbm.at[b, pl.ds(HI + t0, TE), :], hi_v, sem)
    ld_lo.start()
    ld_hi.start()
    ld_lo.wait()
    ld_hi.wait()

    def _row(r, carry):
        for ci in range(CPR):
            cc = ci * LANES
            lo_v[r, pl.ds(cc, LANES)] = 0.5 * (
                lo_v[r, pl.ds(cc, LANES)] + hi_v[r, pl.ds(cc, LANES)]
            )
        return carry

    lax.fori_loop(0, TE, _row, 0)

    st = pltpu.make_async_copy(lo_v, nv_hbm.at[b, pl.ds(t0, TE), :], sem)
    st.start()
    st.wait()


RB = 2080
NBLK = (N + E) // RB
TAIL_COPY = N - (NBLK - 1) * RB


def _tc_body(x_ref, nv_ref, out_ref):
    j = pl.program_id(1)

    @pl.when(j < NBLK - 1)
    def _copy():
        out_ref[...] = x_ref[...]

    @pl.when(j == NBLK - 1)
    def _tail():
        out_ref[0, :TAIL_COPY, :] = x_ref[0, :TAIL_COPY, :]
        out_ref[0, TAIL_COPY:, :] = nv_ref[0]


def kernel(inputs):
    nv = _sc_midpoints(inputs)
    return pl.pallas_call(
        _tc_body,
        grid=(B, NBLK),
        in_specs=[
            pl.BlockSpec((1, RB, F), lambda b, j: (b, j, 0)),
            pl.BlockSpec((1, E, F), lambda b, j: (b, 0, 0)),
        ],
        out_specs=pl.BlockSpec((1, RB, F), lambda b, j: (b, j, 0)),
        out_shape=jax.ShapeDtypeStruct((B, N + E, F), inputs.dtype),
    )(inputs, nv)

# --- scband reference (transcript-rebuilt; emitter-appended) ---
"""Pipeline reference for scband-graph-unpooling-30786325578438 (READ-ONLY COPY).

The authoritative reference and input builder live on the scoring server;
editing this copy changes nothing except your own understanding.
"""

import jax, jax.numpy as jnp
import numpy as np

# unpool_idx: E=64 edge pairs (i, i+2048), max index 2111 < N=4096
UNPOOL_IDX = np.stack([np.arange(64), np.arange(64) + 2048], axis=1).astype(np.int64)

def setup_inputs(seed: int = 0) -> dict:
    key = jax.random.key(seed)
    inputs = jax.random.normal(key, (16, 4096, 512), dtype=jnp.float32)
    return {"inputs": inputs}

def reference(inputs):
    idx = jnp.asarray(UNPOOL_IDX)  # [E, 2]
    # inputs[:, unpool_idx] -> [B, E, 2, F]
    new_features = inputs[:, idx]
    # midpoints of edge endpoints
    new_vertices = 0.5 * new_features.sum(axis=2)  # [B, E, F]
    output = jnp.concatenate([inputs, new_vertices], axis=1)  # [B, N+E, F]
    return output

if __name__ == "__main__":
    import jax
    _d = setup_inputs()
    print(jax.jit(kernel)(*tuple(_d.values())))

</pallas_src>

<mosaic_0001>
#map = affine_map<(d0, d1) -> (0, 0, 0)>
module attributes {stable_mosaic.version = 14 : i64} {
  func.func @_sc_midpoints(%arg0: i32, %arg1: i32, %arg2: memref<16x4096x512xf32, #tpu.memory_space<hbm>>, %arg3: memref<16x64x512xf32, #tpu.memory_space<hbm>>, %arg4: memref<32x512xf32, #tpu.memory_space<vmem>>, %arg5: memref<32x512xf32, #tpu.memory_space<vmem>>, %arg6: memref<!tpu.dma_semaphore, #tpu.memory_space<semaphore_mem>>) attributes {dimension_semantics = [#tpu.dimension_semantics<core_parallel>, #tpu.dimension_semantics<subcore_parallel>], iteration_bounds = array<i64: 2, 16>, scalar_prefetch = 0 : i64, scratch_operands = 3 : i64, tpu.core_type = #tpu.core_type<sc_vector_subcore>, window_params = [{transform_indices = #map}, {transform_indices = #map}]} {
    %mul3A = arith.constant 32 : i32
    %mul3A_0 = arith.muli %arg0, %mul3A : i32
    %add3A = arith.constant 2048 : i32
    %add3A_1 = arith.addi %add3A, %mul3A_0 : i32
    %dma_start3A = arith.constant 0 : i32
    %dma_start3A_2 = tpu.memref_slice %arg2[%arg1, %mul3A_0, %dma_start3A] : memref<16x4096x512xf32, #tpu.memory_space<hbm>> -> memref<1x32x512xf32, #tpu.memory_space<hbm>>
    %dma_start3A_3 = tpu.memref_squeeze %dma_start3A_2 : memref<1x32x512xf32, #tpu.memory_space<hbm>> -> memref<32x512xf32, #tpu.memory_space<hbm>>
    %dma_start3A_4 = arith.constant 0 : i32
    %dma_start3A_5 = tpu.memref_slice %arg2[%arg1, %mul3A_0, %dma_start3A_4] : memref<16x4096x512xf32, #tpu.memory_space<hbm>> -> memref<1x32x512xf32, #tpu.memory_space<hbm>>
    %dma_start3A_6 = tpu.memref_squeeze %dma_start3A_5 : memref<1x32x512xf32, #tpu.memory_space<hbm>> -> memref<32x512xf32, #tpu.memory_space<hbm>>
    tpu.enqueue_dma source(%dma_start3A_6 : memref<32x512xf32, #tpu.memory_space<hbm>>) target(%arg4 : memref<32x512xf32, #tpu.memory_space<vmem>>) target_semaphore(%arg6 : memref<!tpu.dma_semaphore, #tpu.memory_space<semaphore_mem>>)
    %dma_start3A_7 = arith.constant 0 : i32
    %dma_start3A_8 = tpu.memref_slice %arg2[%arg1, %add3A_1, %dma_start3A_7] : memref<16x4096x512xf32, #tpu.memory_space<hbm>> -> memref<1x32x512xf32, #tpu.memory_space<hbm>>
    %dma_start3A_9 = tpu.memref_squeeze %dma_start3A_8 : memref<1x32x512xf32, #tpu.memory_space<hbm>> -> memref<32x512xf32, #tpu.memory_space<hbm>>
    %dma_start3A_10 = arith.constant 0 : i32
    %dma_start3A_11 = tpu.memref_slice %arg2[%arg1, %add3A_1, %dma_start3A_10] : memref<16x4096x512xf32, #tpu.memory_space<hbm>> -> memref<1x32x512xf32, #tpu.memory_space<hbm>>
    %dma_start3A_12 = tpu.memref_squeeze %dma_start3A_11 : memref<1x32x512xf32, #tpu.memory_space<hbm>> -> memref<32x512xf32, #tpu.memory_space<hbm>>
    tpu.enqueue_dma source(%dma_start3A_12 : memref<32x512xf32, #tpu.memory_space<hbm>>) target(%arg5 : memref<32x512xf32, #tpu.memory_space<vmem>>) target_semaphore(%arg6 : memref<!tpu.dma_semaphore, #tpu.memory_space<semaphore_mem>>)
    %dma_wait3A = arith.constant 0 : i32
    %dma_wait3A_13 = tpu.memref_slice %arg2[%arg1, %mul3A_0, %dma_wait3A] : memref<16x4096x512xf32, #tpu.memory_space<hbm>> -> memref<1x32x512xf32, #tpu.memory_space<hbm>>
    %dma_wait3A_14 = tpu.memref_squeeze %dma_wait3A_13 : memref<1x32x512xf32, #tpu.memory_space<hbm>> -> memref<32x512xf32, #tpu.memory_space<hbm>>
    %dma_wait3A_15 = arith.constant 0 : i32
    %dma_wait3A_16 = tpu.memref_slice %arg2[%arg1, %mul3A_0, %dma_wait3A_15] : memref<16x4096x512xf32, #tpu.memory_space<hbm>> -> memref<1x32x512xf32, #tpu.memory_space<hbm>>
    %dma_wait3A_17 = tpu.memref_squeeze %dma_wait3A_16 : memref<1x32x512xf32, #tpu.memory_space<hbm>> -> memref<32x512xf32, #tpu.memory_space<hbm>>
    tpu.wait_dma2 semaphore(%arg6 : memref<!tpu.dma_semaphore, #tpu.memory_space<semaphore_mem>>) src(%dma_wait3A_17 : memref<32x512xf32, #tpu.memory_space<hbm>>) dst(%arg4 : memref<32x512xf32, #tpu.memory_space<vmem>>)
    %dma_wait3A_18 = arith.constant 0 : i32
    %dma_wait3A_19 = tpu.memref_slice %arg2[%arg1, %add3A_1, %dma_wait3A_18] : memref<16x4096x512xf32, #tpu.memory_space<hbm>> -> memref<1x32x512xf32, #tpu.memory_space<hbm>>
    %dma_wait3A_20 = tpu.memref_squeeze %dma_wait3A_19 : memref<1x32x512xf32, #tpu.memory_space<hbm>> -> memref<32x512xf32, #tpu.memory_space<hbm>>
    %dma_wait3A_21 = arith.constant 0 : i32
    %dma_wait3A_22 = tpu.memref_slice %arg2[%arg1, %add3A_1, %dma_wait3A_21] : memref<16x4096x512xf32, #tpu.memory_space<hbm>> -> memref<1x32x512xf32, #tpu.memory_space<hbm>>
    %dma_wait3A_23 = tpu.memref_squeeze %dma_wait3A_22 : memref<1x32x512xf32, #tpu.memory_space<hbm>> -> memref<32x512xf32, #tpu.memory_space<hbm>>
    tpu.wait_dma2 semaphore(%arg6 : memref<!tpu.dma_semaphore, #tpu.memory_space<semaphore_mem>>) src(%dma_wait3A_23 : memref<32x512xf32, #tpu.memory_space<hbm>>) dst(%arg5 : memref<32x512xf32, #tpu.memory_space<vmem>>)
    %scan3A = arith.constant 0 : i32
    %scan3A_24 = arith.constant 0 : i32
    %scan3A_25 = arith.constant 32 : i32
    %scan3A_26 = arith.addi %scan3A_24, %scan3A_25 : i32
    %scan3A_27 = arith.constant 1 : i32
    scf.for %scan3A_41 = %scan3A_24 to %scan3A_26 step %scan3A_27  : i32 {
      %get3A = arith.index_cast %scan3A_41 : i32 to index
      %get3A_42 = arith.constant 0 : index
      %get3A_43 = tpu.vector_load %arg4[%get3A, %get3A_42] {strides = array<i32>} : memref<32x512xf32, #tpu.memory_space<vmem>>, vector<1x16xf32>,
      %get3A_44 = vector.shape_cast %get3A_43 : vector<1x16xf32> to vector<16xf32>
      %get3A_45 = arith.index_cast %scan3A_41 : i32 to index
      %get3A_46 = arith.constant 0 : index
      %get3A_47 = tpu.vector_load %arg5[%get3A_45, %get3A_46] {strides = array<i32>} : memref<32x512xf32, #tpu.memory_space<vmem>>, vector<1x16xf32>,
      %get3A_48 = vector.shape_cast %get3A_47 : vector<1x16xf32> to vector<16xf32>
      %add3A_49 = arith.addf %get3A_44, %get3A_48 : vector<16xf32>
      %mul3A_50 = arith.constant 5.000000e-01 : f32
      %mul3A_51 = vector.broadcast %mul3A_50 : f32 to vector<16xf32>
      %mul3A_52 = arith.mulf %mul3A_51, %add3A_49 : vector<16xf32>
      %swap3A = arith.index_cast %scan3A_41 : i32 to index
      %swap3A_53 = arith.constant 0 : index
      %swap3A_54 = tpu.vector_load %arg4[%swap3A, %swap3A_53] {strides = array<i32>} : memref<32x512xf32, #tpu.memory_space<vmem>>, vector<1x16xf32>,
      %swap3A_55 = vector.shape_cast %swap3A_54 : vector<1x16xf32> to vector<16xf32>
      %swap3A_56 = vector.shape_cast %mul3A_52 : vector<16xf32> to vector<1x16xf32>
      tpu.vector_store %arg4[%swap3A, %swap3A_53], %swap3A_56 {strides = array<i32>} : memref<32x512xf32, #tpu.memory_space<vmem>>, vector<1x16xf32>,
      %get3A_57 = arith.index_cast %scan3A_41 : i32 to index
      %get3A_58 = arith.constant 16 : index
      %get3A_59 = tpu.vector_load %arg4[%get3A_57, %get3A_58] {strides = array<i32>} : memref<32x512xf32, #tpu.memory_space<vmem>>, vector<1x16xf32>,
      %get3A_60 = vector.shape_cast %get3A_59 : vector<1x16xf32> to vector<16xf32>
      %get3A_61 = arith.index_cast %scan3A_41 : i32 to index
      %get3A_62 = arith.constant 16 : index
      %get3A_63 = tpu.vector_load %arg5[%get3A_61, %get3A_62] {strides = array<i32>} : memref<32x512xf32, #tpu.memory_space<vmem>>, vector<1x16xf32>,
      %get3A_64 = vector.shape_cast %get3A_63 : vector<1x16xf32> to vector<16xf32>
      %add3A_65 = arith.addf %get3A_60, %get3A_64 : vector<16xf32>
      %mul3A_66 = arith.constant 5.000000e-01 : f32
      %mul3A_67 = vector.broadcast %mul3A_66 : f32 to vector<16xf32>
      %mul3A_68 = arith.mulf %mul3A_67, %add3A_65 : vector<16xf32>
      %swap3A_69 = arith.index_cast %scan3A_41 : i32 to index
      %swap3A_70 = arith.constant 16 : index
      %swap3A_71 = tpu.vector_load %arg4[%swap3A_69, %swap3A_70] {strides = array<i32>} : memref<32x512xf32, #tpu.memory_space<vmem>>, vector<1x16xf32>,
      %swap3A_72 = vector.shape_cast %swap3A_71 : vector<1x16xf32> to vector<16xf32>
      %swap3A_73 = vector.shape_cast %mul3A_68 : vector<16xf32> to vector<1x16xf32>
      tpu.vector_store %arg4[%swap3A_69, %swap3A_70], %swap3A_73 {strides = array<i32>} : memref<32x512xf32, #tpu.memory_space<vmem>>, vector<1x16xf32>,
      %get3A_74 = arith.index_cast %scan3A_41 : i32 to index
      %get3A_75 = arith.constant 32 : index
      %get3A_76 = tpu.vector_load %arg4[%get3A_74, %get3A_75] {strides = array<i32>} : memref<32x512xf32, #tpu.memory_space<vmem>>, vector<1x16xf32>,
      %get3A_77 = vector.shape_cast %get3A_76 : vector<1x16xf32> to vector<16xf32>
      %get3A_78 = arith.index_cast %scan3A_41 : i32 to index
      %get3A_79 = arith.constant 32 : index
      %get3A_80 = tpu.vector_load %arg5[%get3A_78, %get3A_79] {strides = array<i32>} : memref<32x512xf32, #tpu.memory_space<vmem>>, vector<1x16xf32>,
      %get3A_81 = vector.shape_cast %get3A_80 : vector<1x16xf32> to vector<16xf32>
      %add3A_82 = arith.addf %get3A_77, %get3A_81 : vector<16xf32>
      %mul3A_83 = arith.constant 5.000000e-01 : f32
      %mul3A_84 = vector.broadcast %mul3A_83 : f32 to vector<16xf32>
      %mul3A_85 = arith.mulf %mul3A_84, %add3A_82 : vector<16xf32>
      %swap3A_86 = arith.index_cast %scan3A_41 : i32 to index
      %swap3A_87 = arith.constant 32 : index
      %swap3A_88 = tpu.vector_load %arg4[%swap3A_86, %swap3A_87] {strides = array<i32>} : memref<32x512xf32, #tpu.memory_space<vmem>>, vector<1x16xf32>,
      %swap3A_89 = vector.shape_cast %swap3A_88 : vector<1x16xf32> to vector<16xf32>
      %swap3A_90 = vector.shape_cast %mul3A_85 : vector<16xf32> to vector<1x16xf32>
      tpu.vector_store %arg4[%swap3A_86, %swap3A_87], %swap3A_90 {strides = array<i32>} : memref<32x512xf32, #tpu.memory_space<vmem>>, vector<1x16xf32>,
      %get3A_91 = arith.index_cast %scan3A_41 : i32 to index
      %get3A_92 = arith.constant 48 : index
      %get3A_93 = tpu.vector_load %arg4[%get3A_91, %get3A_92] {strides = array<i32>} : memref<32x512xf32, #tpu.memory_space<vmem>>, vector<1x16xf32>,
      %get3A_94 = vector.shape_cast %get3A_93 : vector<1x16xf32> to vector<16xf32>
      %get3A_95 = arith.index_cast %scan3A_41 : i32 to index
      %get3A_96 = arith.constant 48 : index
      %get3A_97 = tpu.vector_load %arg5[%get3A_95, %get3A_96] {strides = array<i32>} : memref<32x512xf32, #tpu.memory_space<vmem>>, vector<1x16xf32>,
      %get3A_98 = vector.shape_cast %get3A_97 : vector<1x16xf32> to vector<16xf32>
      %add3A_99 = arith.addf %get3A_94, %get3A_98 : vector<16xf32>
      %mul3A_100 = arith.constant 5.000000e-01 : f32
      %mul3A_101 = vector.broadcast %mul3A_100 : f32 to vector<16xf32>
      %mul3A_102 = arith.mulf %mul3A_101, %add3A_99 : vector<16xf32>
      %swap3A_103 = arith.index_cast %scan3A_41 : i32 to index
      %swap3A_104 = arith.constant 48 : index
      %swap3A_105 = tpu.vector_load %arg4[%swap3A_103, %swap3A_104] {strides = array<i32>} : memref<32x512xf32, #tpu.memory_space<vmem>>, vector<1x16xf32>,
      %swap3A_106 = vector.shape_cast %swap3A_105 : vector<1x16xf32> to vector<16xf32>
      %swap3A_107 = vector.shape_cast %mul3A_102 : vector<16xf32> to vector<1x16xf32>
      tpu.vector_store %arg4[%swap3A_103, %swap3A_104], %swap3A_107 {strides = array<i32>} : memref<32x512xf32, #tpu.memory_space<vmem>>, vector<1x16xf32>,
      %get3A_108 = arith.index_cast %scan3A_41 : i32 to index
      %get3A_109 = arith.constant 64 : index
      %get3A_110 = tpu.vector_load %arg4[%get3A_108, %get3A_109] {strides = array<i32>} : memref<32x512xf32, #tpu.memory_space<vmem>>, vector<1x16xf32>,
      %get3A_111 = vector.shape_cast %get3A_110 : vector<1x16xf32> to vector<16xf32>
      %get3A_112 = arith.index_cast %scan3A_41 : i32 to index
      %get3A_113 = arith.constant 64 : index
      %get3A_114 = tpu.vector_load %arg5[%get3A_112, %get3A_113] {strides = array<i32>} : memref<32x512xf32, #tpu.memory_space<vmem>>, vector<1x16xf32>,
      %get3A_115 = vector.shape_cast %get3A_114 : vector<1x16xf32> to vector<16xf32>
      %add3A_116 = arith.addf %get3A_111, %get3A_115 : vector<16xf32>
      %mul3A_117 = arith.constant 5.000000e-01 : f32
      %mul3A_118 = vector.broadcast %mul3A_117 : f32 to vector<16xf32>
      %mul3A_119 = arith.mulf %mul3A_118, %add3A_116 : vector<16xf32>
      %swap3A_120 = arith.index_cast %scan3A_41 : i32 to index
      %swap3A_121 = arith.constant 64 : index
      %swap3A_122 = tpu.vector_load %arg4[%swap3A_120, %swap3A_121] {strides = array<i32>} : memref<32x512xf32, #tpu.memory_space<vmem>>, vector<1x16xf32>,
      %swap3A_123 = vector.shape_cast %swap3A_122 : vector<1x16xf32> to vector<16xf32>
      %swap3A_124 = vector.shape_cast %mul3A_119 : vector<16xf32> to vector<1x16xf32>
      tpu.vector_store %arg4[%swap3A_120, %swap3A_121], %swap3A_124 {strides = array<i32>} : memref<32x512xf32, #tpu.memory_space<vmem>>, vector<1x16xf32>,
      %get3A_125 = arith.index_cast %scan3A_41 : i32 to index
      %get3A_126 = arith.constant 80 : index
      %get3A_127 = tpu.vector_load %arg4[%get3A_125, %get3A_126] {strides = array<i32>} : memref<32x512xf32, #tpu.memory_space<vmem>>, vector<1x16xf32>,
      %get3A_128 = vector.shape_cast %get3A_127 : vector<1x16xf32> to vector<16xf32>
      %get3A_129 = arith.index_cast %scan3A_41 : i32 to index
      %get3A_130 = arith.constant 80 : index
      %get3A_131 = tpu.vector_load %arg5[%get3A_129, %get3A_130] {strides = array<i32>} : memref<32x512xf32, #tpu.memory_space<vmem>>, vector<1x16xf32>,
      %get3A_132 = vector.shape_cast %get3A_131 : vector<1x16xf32> to vector<16xf32>
      %add3A_133 = arith.addf %get3A_128, %get3A_132 : vector<16xf32>
      %mul3A_134 = arith.constant 5.000000e-01 : f32
      %mul3A_135 = vector.broadcast %mul3A_134 : f32 to vector<16xf32>
      %mul3A_136 = arith.mulf %mul3A_135, %add3A_133 : vector<16xf32>
      %swap3A_137 = arith.index_cast %scan3A_41 : i32 to index
      %swap3A_138 = arith.constant 80 : index
      %swap3A_139 = tpu.vector_load %arg4[%swap3A_137, %swap3A_138] {strides = array<i32>} : memref<32x512xf32, #tpu.memory_space<vmem>>, vector<1x16xf32>,
      %swap3A_140 = vector.shape_cast %swap3A_139 : vector<1x16xf32> to vector<16xf32>
      %swap3A_141 = vector.shape_cast %mul3A_136 : vector<16xf32> to vector<1x16xf32>
      tpu.vector_store %arg4[%swap3A_137, %swap3A_138], %swap3A_141 {strides = array<i32>} : memref<32x512xf32, #tpu.memory_space<vmem>>, vector<1x16xf32>,
      %get3A_142 = arith.index_cast %scan3A_41 : i32 to index
      %get3A_143 = arith.constant 96 : index
      %get3A_144 = tpu.vector_load %arg4[%get3A_142, %get3A_143] {strides = array<i32>} : memref<32x512xf32, #tpu.memory_space<vmem>>, vector<1x16xf32>,
      %get3A_145 = vector.shape_cast %get3A_144 : vector<1x16xf32> to vector<16xf32>
      %get3A_146 = arith.index_cast %scan3A_41 : i32 to index
      %get3A_147 = arith.constant 96 : index
      %get3A_148 = tpu.vector_load %arg5[%get3A_146, %get3A_147] {strides = array<i32>} : memref<32x512xf32, #tpu.memory_space<vmem>>, vector<1x16xf32>,
      %get3A_149 = vector.shape_cast %get3A_148 : vector<1x16xf32> to vector<16xf32>
      %add3A_150 = arith.addf %get3A_145, %get3A_149 : vector<16xf32>
      %mul3A_151 = arith.constant 5.000000e-01 : f32
      %mul3A_152 = vector.broadcast %mul3A_151 : f32 to vector<16xf32>
      %mul3A_153 = arith.mulf %mul3A_152, %add3A_150 : vector<16xf32>
      %swap3A_154 = arith.index_cast %scan3A_41 : i32 to index
      %swap3A_155 = arith.constant 96 : index
      %swap3A_156 = tpu.vector_load %arg4[%swap3A_154, %swap3A_155] {strides = array<i32>} : memref<32x512xf32, #tpu.memory_space<vmem>>, vector<1x16xf32>,
      %swap3A_157 = vector.shape_cast %swap3A_156 : vector<1x16xf32> to vector<16xf32>
      %swap3A_158 = vector.shape_cast %mul3A_153 : vector<16xf32> to vector<1x16xf32>
      tpu.vector_store %arg4[%swap3A_154, %swap3A_155], %swap3A_158 {strides = array<i32>} : memref<32x512xf32, #tpu.memory_space<vmem>>, vector<1x16xf32>,
      %get3A_159 = arith.index_cast %scan3A_41 : i32 to index
      %get3A_160 = arith.constant 112 : index
      %get3A_161 = tpu.vector_load %arg4[%get3A_159, %get3A_160] {strides = array<i32>} : memref<32x512xf32, #tpu.memory_space<vmem>>, vector<1x16xf32>,
      %get3A_162 = vector.shape_cast %get3A_161 : vector<1x16xf32> to vector<16xf32>
      %get3A_163 = arith.index_cast %scan3A_41 : i32 to index
      %get3A_164 = arith.constant 112 : index
      %get3A_165 = tpu.vector_load %arg5[%get3A_163, %get3A_164] {strides = array<i32>} : memref<32x512xf32, #tpu.memory_space<vmem>>, vector<1x16xf32>,
      %get3A_166 = vector.shape_cast %get3A_165 : vector<1x16xf32> to vector<16xf32>
      %add3A_167 = arith.addf %get3A_162, %get3A_166 : vector<16xf32>
      %mul3A_168 = arith.constant 5.000000e-01 : f32
      %mul3A_169 = vector.broadcast %mul3A_168 : f32 to vector<16xf32>
      %mul3A_170 = arith.mulf %mul3A_169, %add3A_167 : vector<16xf32>
      %swap3A_171 = arith.index_cast %scan3A_41 : i32 to index
      %swap3A_172 = arith.constant 112 : index
      %swap3A_173 = tpu.vector_load %arg4[%swap3A_171, %swap3A_172] {strides = array<i32>} : memref<32x512xf32, #tpu.memory_space<vmem>>, vector<1x16xf32>,
      %swap3A_174 = vector.shape_cast %swap3A_173 : vector<1x16xf32> to vector<16xf32>
      %swap3A_175 = vector.shape_cast %mul3A_170 : vector<16xf32> to vector<1x16xf32>
      tpu.vector_store %arg4[%swap3A_171, %swap3A_172], %swap3A_175 {strides = array<i32>} : memref<32x512xf32, #tpu.memory_space<vmem>>, vector<1x16xf32>,
      %get3A_176 = arith.index_cast %scan3A_41 : i32 to index
      %get3A_177 = arith.constant 128 : index
      %get3A_178 = tpu.vector_load %arg4[%get3A_176, %get3A_177] {strides = array<i32>} : memref<32x512xf32, #tpu.memory_space<vmem>>, vector<1x16xf32>,
      %get3A_179 = vector.shape_cast %get3A_178 : vector<1x16xf32> to vector<16xf32>
      %get3A_180 = arith.index_cast %scan3A_41 : i32 to index
      %get3A_181 = arith.constant 128 : index
      %get3A_182 = tpu.vector_load %arg5[%get3A_180, %get3A_181] {strides = array<i32>} : memref<32x512xf32, #tpu.memory_space<vmem>>, vector<1x16xf32>,
      %get3A_183 = vector.shape_cast %get3A_182 : vector<1x16xf32> to vector<16xf32>
      %add3A_184 = arith.addf %get3A_179, %get3A_183 : vector<16xf32>
      %mul3A_185 = arith.constant 5.000000e-01 : f32
      %mul3A_186 = vector.broadcast %mul3A_185 : f32 to vector<16xf32>
      %mul3A_187 = arith.mulf %mul3A_186, %add3A_184 : vector<16xf32>
      %swap3A_188 = arith.index_cast %scan3A_41 : i32 to index
      %swap3A_189 = arith.constant 128 : index
      %swap3A_190 = tpu.vector_load %arg4[%swap3A_188, %swap3A_189] {strides = array<i32>} : memref<32x512xf32, #tpu.memory_space<vmem>>, vector<1x16xf32>,
      %swap3A_191 = vector.shape_cast %swap3A_190 : vector<1x16xf32> to vector<16xf32>
      %swap3A_192 = vector.shape_cast %mul3A_187 : vector<16xf32> to vector<1x16xf32>
      tpu.vector_store %arg4[%swap3A_188, %swap3A_189], %swap3A_192 {strides = array<i32>} : memref<32x512xf32, #tpu.memory_space<vmem>>, vector<1x16xf32>,
      %get3A_193 = arith.index_cast %scan3A_41 : i32 to index
      %get3A_194 = arith.constant 144 : index
      %get3A_195 = tpu.vector_load %arg4[%get3A_193, %get3A_194] {strides = array<i32>} : memref<32x512xf32, #tpu.memory_space<vmem>>, vector<1x16xf32>,
      %get3A_196 = vector.shape_cast %get3A_195 : vector<1x16xf32> to vector<16xf32>
      %get3A_197 = arith.index_cast %scan3A_41 : i32 to index
      %get3A_198 = arith.constant 144 : index
      %get3A_199 = tpu.vector_load %arg5[%get3A_197, %get3A_198] {strides = array<i32>} : memref<32x512xf32, #tpu.memory_space<vmem>>, vector<1x16xf32>,
      %get3A_200 = vector.shape_cast %get3A_199 : vector<1x16xf32> to vector<16xf32>
      %add3A_201 = arith.addf %get3A_196, %get3A_200 : vector<16xf32>
      %mul3A_202 = arith.constant 5.000000e-01 : f32
      %mul3A_203 = vector.broadcast %mul3A_202 : f32 to vector<16xf32>
      %mul3A_204 = arith.mulf %mul3A_203, %add3A_201 : vector<16xf32>
      %swap3A_205 = arith.index_cast %scan3A_41 : i32 to index
      %swap3A_206 = arith.constant 144 : index
      %swap3A_207 = tpu.vector_load %arg4[%swap3A_205, %swap3A_206] {strides = array<i32>} : memref<32x512xf32, #tpu.memory_space<vmem>>, vector<1x16xf32>,
      %swap3A_208 = vector.shape_cast %swap3A_207 : vector<1x16xf32> to vector<16xf32>
      %swap3A_209 = vector.shape_cast %mul3A_204 : vector<16xf32> to vector<1x16xf32>
      tpu.vector_store %arg4[%swap3A_205, %swap3A_206], %swap3A_209 {strides = array<i32>} : memref<32x512xf32, #tpu.memory_space<vmem>>, vector<1x16xf32>,
      %get3A_210 = arith.index_cast %scan3A_41 : i32 to index
      %get3A_211 = arith.constant 160 : index
      %get3A_212 = tpu.vector_load %arg4[%get3A_210, %get3A_211] {strides = array<i32>} : memref<32x512xf32, #tpu.memory_space<vmem>>, vector<1x16xf32>,
      %get3A_213 = vector.shape_cast %get3A_212 : vector<1x16xf32> to vector<16xf32>
      %get3A_214 = arith.index_cast %scan3A_41 : i32 to index
      %get3A_215 = arith.constant 160 : index
      %get3A_216 = tpu.vector_load %arg5[%get3A_214, %get3A_215] {strides = array<i32>} : memref<32x512xf32, #tpu.memory_space<vmem>>, vector<1x16xf32>,
      %get3A_217 = vector.shape_cast %get3A_216 : vector<1x16xf32> to vector<16xf32>
      %add3A_218 = arith.addf %get3A_213, %get3A_217 : vector<16xf32>
      %mul3A_219 = arith.constant 5.000000e-01 : f32
      %mul3A_220 = vector.broadcast %mul3A_219 : f32 to vector<16xf32>
      %mul3A_221 = arith.mulf %mul3A_220, %add3A_218 : vector<16xf32>
      %swap3A_222 = arith.index_cast %scan3A_41 : i32 to index
      %swap3A_223 = arith.constant 160 : index
      %swap3A_224 = tpu.vector_load %arg4[%swap3A_222, %swap3A_223] {strides = array<i32>} : memref<32x512xf32, #tpu.memory_space<vmem>>, vector<1x16xf32>,
      %swap3A_225 = vector.shape_cast %swap3A_224 : vector<1x16xf32> to vector<16xf32>
      %swap3A_226 = vector.shape_cast %mul3A_221 : vector<16xf32> to vector<1x16xf32>
      tpu.vector_store %arg4[%swap3A_222, %swap3A_223], %swap3A_226 {strides = array<i32>} : memref<32x512xf32, #tpu.memory_space<vmem>>, vector<1x16xf32>,
      %get3A_227 = arith.index_cast %scan3A_41 : i32 to index
      %get3A_228 = arith.constant 176 : index
      %get3A_229 = tpu.vector_load %arg4[%get3A_227, %get3A_228] {strides = array<i32>} : memref<32x512xf32, #tpu.memory_space<vmem>>, vector<1x16xf32>,
      %get3A_230 = vector.shape_cast %get3A_229 : vector<1x16xf32> to vector<16xf32>
      %get3A_231 = arith.index_cast %scan3A_41 : i32 to index
      %get3A_232 = arith.constant 176 : index
      %get3A_233 = tpu.vector_load %arg5[%get3A_231, %get3A_232] {strides = array<i32>} : memref<32x512xf32, #tpu.memory_space<vmem>>, vector<1x16xf32>,
      %get3A_234 = vector.shape_cast %get3A_233 : vector<1x16xf32> to vector<16xf32>
      %add3A_235 = arith.addf %get3A_230, %get3A_234 : vector<16xf32>
      %mul3A_236 = arith.constant 5.000000e-01 : f32
      %mul3A_237 = vector.broadcast %mul3A_236 : f32 to vector<16xf32>
      %mul3A_238 = arith.mulf %mul3A_237, %add3A_235 : vector<16xf32>
      %swap3A_239 = arith.index_cast %scan3A_41 : i32 to index
      %swap3A_240 = arith.constant 176 : index
      %swap3A_241 = tpu.vector_load %arg4[%swap3A_239, %swap3A_240] {strides = array<i32>} : memref<32x512xf32, #tpu.memory_space<vmem>>, vector<1x16xf32>,
      %swap3A_242 = vector.shape_cast %swap3A_241 : vector<1x16xf32> to vector<16xf32>
      %swap3A_243 = vector.shape_cast %mul3A_238 : vector<16xf32> to vector<1x16xf32>
      tpu.vector_store %arg4[%swap3A_239, %swap3A_240], %swap3A_243 {strides = array<i32>} : memref<32x512xf32, #tpu.memory_space<vmem>>, vector<1x16xf32>,
      %get3A_244 = arith.index_cast %scan3A_41 : i32 to index
      %get3A_245 = arith.constant 192 : index
      %get3A_246 = tpu.vector_load %arg4[%get3A_244, %get3A_245] {strides = array<i32>} : memref<32x512xf32, #tpu.memory_space<vmem>>, vector<1x16xf32>,
      %get3A_247 = vector.shape_cast %get3A_246 : vector<1x16xf32> to vector<16xf32>
      %get3A_248 = arith.index_cast %scan3A_41 : i32 to index
      %get3A_249 = arith.constant 192 : index
      %get3A_250 = tpu.vector_load %arg5[%get3A_248, %get3A_249] {strides = array<i32>} : memref<32x512xf32, #tpu.memory_space<vmem>>, vector<1x16xf32>,
      %get3A_251 = vector.shape_cast %get3A_250 : vector<1x16xf32> to vector<16xf32>
      %add3A_252 = arith.addf %get3A_247, %get3A_251 : vector<16xf32>
      %mul3A_253 = arith.constant 5.000000e-01 : f32
      %mul3A_254 = vector.broadcast %mul3A_253 : f32 to vector<16xf32>
      %mul3A_255 = arith.mulf %mul3A_254, %add3A_252 : vector<16xf32>
      %swap3A_256 = arith.index_cast %scan3A_41 : i32 to index
      %swap3A_257 = arith.constant 192 : index
      %swap3A_258 = tpu.vector_load %arg4[%swap3A_256, %swap3A_257] {strides = array<i32>} : memref<32x512xf32, #tpu.memory_space<vmem>>, vector<1x16xf32>,
      %swap3A_259 = vector.shape_cast %swap3A_258 : vector<1x16xf32> to vector<16xf32>
      %swap3A_260 = vector.shape_cast %mul3A_255 : vector<16xf32> to vector<1x16xf32>
      tpu.vector_store %arg4[%swap3A_256, %swap3A_257], %swap3A_260 {strides = array<i32>} : memref<32x512xf32, #tpu.memory_space<vmem>>, vector<1x16xf32>,
      %get3A_261 = arith.index_cast %scan3A_41 : i32 to index
      %get3A_262 = arith.constant 208 : index
      %get3A_263 = tpu.vector_load %arg4[%get3A_261, %get3A_262] {strides = array<i32>} : memref<32x512xf32, #tpu.memory_space<vmem>>, vector<1x16xf32>,
      %get3A_264 = vector.shape_cast %get3A_263 : vector<1x16xf32> to vector<16xf32>
      %get3A_265 = arith.index_cast %scan3A_41 : i32 to index
      %get3A_266 = arith.constant 208 : index
      %get3A_267 = tpu.vector_load %arg5[%get3A_265, %get3A_266] {strides = array<i32>} : memref<32x512xf32, #tpu.memory_space<vmem>>, vector<1x16xf32>,
      %get3A_268 = vector.shape_cast %get3A_267 : vector<1x16xf32> to vector<16xf32>
      %add3A_269 = arith.addf %get3A_264, %get3A_268 : vector<16xf32>
      %mul3A_270 = arith.constant 5.000000e-01 : f32
      %mul3A_271 = vector.broadcast %mul3A_270 : f32 to vector<16xf32>
      %mul3A_272 = arith.mulf %mul3A_271, %add3A_269 : vector<16xf32>
      %swap3A_273 = arith.index_cast %scan3A_41 : i32 to index
      %swap3A_274 = arith.constant 208 : index
      %swap3A_275 = tpu.vector_load %arg4[%swap3A_273, %swap3A_274] {strides = array<i32>} : memref<32x512xf32, #tpu.memory_space<vmem>>, vector<1x16xf32>,
      %swap3A_276 = vector.shape_cast %swap3A_275 : vector<1x16xf32> to vector<16xf32>
      %swap3A_277 = vector.shape_cast %mul3A_272 : vector<16xf32> to vector<1x16xf32>
      tpu.vector_store %arg4[%swap3A_273, %swap3A_274], %swap3A_277 {strides = array<i32>} : memref<32x512xf32, #tpu.memory_space<vmem>>, vector<1x16xf32>,
      %get3A_278 = arith.index_cast %scan3A_41 : i32 to index
      %get3A_279 = arith.constant 224 : index
      %get3A_280 = tpu.vector_load %arg4[%get3A_278, %get3A_279] {strides = array<i32>} : memref<32x512xf32, #tpu.memory_space<vmem>>, vector<1x16xf32>,
      %get3A_281 = vector.shape_cast %get3A_280 : vector<1x16xf32> to vector<16xf32>
      %get3A_282 = arith.index_cast %scan3A_41 : i32 to index
      %get3A_283 = arith.constant 224 : index
      %get3A_284 = tpu.vector_load %arg5[%get3A_282, %get3A_283] {strides = array<i32>} : memref<32x512xf32, #tpu.memory_space<vmem>>, vector<1x16xf32>,
      %get3A_285 = vector.shape_cast %get3A_284 : vector<1x16xf32> to vector<16xf32>
      %add3A_286 = arith.addf %get3A_281, %get3A_285 : vector<16xf32>
      %mul3A_287 = arith.constant 5.000000e-01 : f32
      %mul3A_288 = vector.broadcast %mul3A_287 : f32 to vector<16xf32>
      %mul3A_289 = arith.mulf %mul3A_288, %add3A_286 : vector<16xf32>
      %swap3A_290 = arith.index_cast %scan3A_41 : i32 to index
      %swap3A_291 = arith.constant 224 : index
      %swap3A_292 = tpu.vector_load %arg4[%swap3A_290, %swap3A_291] {strides = array<i32>} : memref<32x512xf32, #tpu.memory_space<vmem>>, vector<1x16xf32>,
      %swap3A_293 = vector.shape_cast %swap3A_292 : vector<1x16xf32> to vector<16xf32>
      %swap3A_294 = vector.shape_cast %mul3A_289 : vector<16xf32> to vector<1x16xf32>
      tpu.vector_store %arg4[%swap3A_290, %swap3A_291], %swap3A_294 {strides = array<i32>} : memref<32x512xf32, #tpu.memory_space<vmem>>, vector<1x16xf32>,
      %get3A_295 = arith.index_cast %scan3A_41 : i32 to index
      %get3A_296 = arith.constant 240 : index
      %get3A_297 = tpu.vector_load %arg4[%get3A_295, %get3A_296] {strides = array<i32>} : memref<32x512xf32, #tpu.memory_space<vmem>>, vector<1x16xf32>,
      %get3A_298 = vector.shape_cast %get3A_297 : vector<1x16xf32> to vector<16xf32>
      %get3A_299 = arith.index_cast %scan3A_41 : i32 to index
      %get3A_300 = arith.constant 240 : index
      %get3A_301 = tpu.vector_load %arg5[%get3A_299, %get3A_300] {strides = array<i32>} : memref<32x512xf32, #tpu.memory_space<vmem>>, vector<1x16xf32>,
      %get3A_302 = vector.shape_cast %get3A_301 : vector<1x16xf32> to vector<16xf32>
      %add3A_303 = arith.addf %get3A_298, %get3A_302 : vector<16xf32>
      %mul3A_304 = arith.constant 5.000000e-01 : f32
      %mul3A_305 = vector.broadcast %mul3A_304 : f32 to vector<16xf32>
      %mul3A_306 = arith.mulf %mul3A_305, %add3A_303 : vector<16xf32>
      %swap3A_307 = arith.index_cast %scan3A_41 : i32 to index
      %swap3A_308 = arith.constant 240 : index
      %swap3A_309 = tpu.vector_load %arg4[%swap3A_307, %swap3A_308] {strides = array<i32>} : memref<32x512xf32, #tpu.memory_space<vmem>>, vector<1x16xf32>,
      %swap3A_310 = vector.shape_cast %swap3A_309 : vector<1x16xf32> to vector<16xf32>
      %swap3A_311 = vector.shape_cast %mul3A_306 : vector<16xf32> to vector<1x16xf32>
      tpu.vector_store %arg4[%swap3A_307, %swap3A_308], %swap3A_311 {strides = array<i32>} : memref<32x512xf32, #tpu.memory_space<vmem>>, vector<1x16xf32>,
      %get3A_312 = arith.index_cast %scan3A_41 : i32 to index
      %get3A_313 = arith.constant 256 : index
      %get3A_314 = tpu.vector_load %arg4[%get3A_312, %get3A_313] {strides = array<i32>} : memref<32x512xf32, #tpu.memory_space<vmem>>, vector<1x16xf32>,
      %get3A_315 = vector.shape_cast %get3A_314 : vector<1x16xf32> to vector<16xf32>
      %get3A_316 = arith.index_cast %scan3A_41 : i32 to index
      %get3A_317 = arith.constant 256 : index
      %get3A_318 = tpu.vector_load %arg5[%get3A_316, %get3A_317] {strides = array<i32>} : memref<32x512xf32, #tpu.memory_space<vmem>>, vector<1x16xf32>,
      %get3A_319 = vector.shape_cast %get3A_318 : vector<1x16xf32> to vector<16xf32>
      %add3A_320 = arith.addf %get3A_315, %get3A_319 : vector<16xf32>
      %mul3A_321 = arith.constant 5.000000e-01 : f32
      %mul3A_322 = vector.broadcast %mul3A_321 : f32 to vector<16xf32>
      %mul3A_323 = arith.mulf %mul3A_322, %add3A_320 : vector<16xf32>
      %swap3A_324 = arith.index_cast %scan3A_41 : i32 to index
      %swap3A_325 = arith.constant 256 : index
      %swap3A_326 = tpu.vector_load %arg4[%swap3A_324, %swap3A_325] {strides = array<i32>} : memref<32x512xf32, #tpu.memory_space<vmem>>, vector<1x16xf32>,
      %swap3A_327 = vector.shape_cast %swap3A_326 : vector<1x16xf32> to vector<16xf32>
      %swap3A_328 = vector.shape_cast %mul3A_323 : vector<16xf32> to vector<1x16xf32>
      tpu.vector_store %arg4[%swap3A_324, %swap3A_325], %swap3A_328 {strides = array<i32>} : memref<32x512xf32, #tpu.memory_space<vmem>>, vector<1x16xf32>,
      %get3A_329 = arith.index_cast %scan3A_41 : i32 to index
      %get3A_330 = arith.constant 272 : index
      %get3A_331 = tpu.vector_load %arg4[%get3A_329, %get3A_330] {strides = array<i32>} : memref<32x512xf32, #tpu.memory_space<vmem>>, vector<1x16xf32>,
      %get3A_332 = vector.shape_cast %get3A_331 : vector<1x16xf32> to vector<16xf32>
      %get3A_333 = arith.index_cast %scan3A_41 : i32 to index
      %get3A_334 = arith.constant 272 : index
      %get3A_335 = tpu.vector_load %arg5[%get3A_333, %get3A_334] {strides = array<i32>} : memref<32x512xf32, #tpu.memory_space<vmem>>, vector<1x16xf32>,
      %get3A_336 = vector.shape_cast %get3A_335 : vector<1x16xf32> to vector<16xf32>
      %add3A_337 = arith.addf %get3A_332, %get3A_336 : vector<16xf32>
      %mul3A_338 = arith.constant 5.000000e-01 : f32
      %mul3A_339 = vector.broadcast %mul3A_338 : f32 to vector<16xf32>
      %mul3A_340 = arith.mulf %mul3A_339, %add3A_337 : vector<16xf32>
      %swap3A_341 = arith.index_cast %scan3A_41 : i32 to index
      %swap3A_342 = arith.constant 272 : index
      %swap3A_343 = tpu.vector_load %arg4[%swap3A_341, %swap3A_342] {strides = array<i32>} : memref<32x512xf32, #tpu.memory_space<vmem>>, vector<1x16xf32>,
      %swap3A_344 = vector.shape_cast %swap3A_343 : vector<1x16xf32> to vector<16xf32>
      %swap3A_345 = vector.shape_cast %mul3A_340 : vector<16xf32> to vector<1x16xf32>
      tpu.vector_store %arg4[%swap3A_341, %swap3A_342], %swap3A_345 {strides = array<i32>} : memref<32x512xf32, #tpu.memory_space<vmem>>, vector<1x16xf32>,
      %get3A_346 = arith.index_cast %scan3A_41 : i32 to index
      %get3A_347 = arith.constant 288 : index
      %get3A_348 = tpu.vector_load %arg4[%get3A_346, %get3A_347] {strides = array<i32>} : memref<32x512xf32, #tpu.memory_space<vmem>>, vector<1x16xf32>,
      %get3A_349 = vector.shape_cast %get3A_348 : vector<1x16xf32> to vector<16xf32>
      %get3A_350 = arith.index_cast %scan3A_41 : i32 to index
      %get3A_351 = arith.constant 288 : index
      %get3A_352 = tpu.vector_load %arg5[%get3A_350, %get3A_351] {strides = array<i32>} : memref<32x512xf32, #tpu.memory_space<vmem>>, vector<1x16xf32>,
      %get3A_353 = vector.shape_cast %get3A_352 : vector<1x16xf32> to vector<16xf32>
      %add3A_354 = arith.addf %get3A_349, %get3A_353 : vector<16xf32>
      %mul3A_355 = arith.constant 5.000000e-01 : f32
      %mul3A_356 = vector.broadcast %mul3A_355 : f32 to vector<16xf32>
      %mul3A_357 = arith.mulf %mul3A_356, %add3A_354 : vector<16xf32>
      %swap3A_358 = arith.index_cast %scan3A_41 : i32 to index
      %swap3A_359 = arith.constant 288 : index
      %swap3A_360 = tpu.vector_load %arg4[%swap3A_358, %swap3A_359] {strides = array<i32>} : memref<32x512xf32, #tpu.memory_space<vmem>>, vector<1x16xf32>,
      %swap3A_361 = vector.shape_cast %swap3A_360 : vector<1x16xf32> to vector<16xf32>
      %swap3A_362 = vector.shape_cast %mul3A_357 : vector<16xf32> to vector<1x16xf32>
      tpu.vector_store %arg4[%swap3A_358, %swap3A_359], %swap3A_362 {strides = array<i32>} : memref<32x512xf32, #tpu.memory_space<vmem>>, vector<1x16xf32>,
      %get3A_363 = arith.index_cast %scan3A_41 : i32 to index
      %get3A_364 = arith.constant 304 : index
      %get3A_365 = tpu.vector_load %arg4[%get3A_363, %get3A_364] {strides = array<i32>} : memref<32x512xf32, #tpu.memory_space<vmem>>, vector<1x16xf32>,
      %get3A_366 = vector.shape_cast %get3A_365 : vector<1x16xf32> to vector<16xf32>
      %get3A_367 = arith.index_cast %scan3A_41 : i32 to index
      %get3A_368 = arith.constant 304 : index
      %get3A_369 = tpu.vector_load %arg5[%get3A_367, %get3A_368] {strides = array<i32>} : memref<32x512xf32, #tpu.memory_space<vmem>>, vector<1x16xf32>,
      %get3A_370 = vector.shape_cast %get3A_369 : vector<1x16xf32> to vector<16xf32>
      %add3A_371 = arith.addf %get3A_366, %get3A_370 : vector<16xf32>
      %mul3A_372 = arith.constant 5.000000e-01 : f32
      %mul3A_373 = vector.broadcast %mul3A_372 : f32 to vector<16xf32>
      %mul3A_374 = arith.mulf %mul3A_373, %add3A_371 : vector<16xf32>
      %swap3A_375 = arith.index_cast %scan3A_41 : i32 to index
      %swap3A_376 = arith.constant 304 : index
      %swap3A_377 = tpu.vector_load %arg4[%swap3A_375, %swap3A_376] {strides = array<i32>} : memref<32x512xf32, #tpu.memory_space<vmem>>, vector<1x16xf32>,
      %swap3A_378 = vector.shape_cast %swap3A_377 : vector<1x16xf32> to vector<16xf32>
      %swap3A_379 = vector.shape_cast %mul3A_374 : vector<16xf32> to vector<1x16xf32>
      tpu.vector_store %arg4[%swap3A_375, %swap3A_376], %swap3A_379 {strides = array<i32>} : memref<32x512xf32, #tpu.memory_space<vmem>>, vector<1x16xf32>,
      %get3A_380 = arith.index_cast %scan3A_41 : i32 to index
      %get3A_381 = arith.constant 320 : index
      %get3A_382 = tpu.vector_load %arg4[%get3A_380, %get3A_381] {strides = array<i32>} : memref<32x512xf32, #tpu.memory_space<vmem>>, vector<1x16xf32>,
      %get3A_383 = vector.shape_cast %get3A_382 : vector<1x16xf32> to vector<16xf32>
      %get3A_384 = arith.index_cast %scan3A_41 : i32 to index
      %get3A_385 = arith.constant 320 : index
      %get3A_386 = tpu.vector_load %arg5[%get3A_384, %get3A_385] {strides = array<i32>} : memref<32x512xf32, #tpu.memory_space<vmem>>, vector<1x16xf32>,
      %get3A_387 = vector.shape_cast %get3A_386 : vector<1x16xf32> to vector<16xf32>
      %add3A_388 = arith.addf %get3A_383, %get3A_387 : vector<16xf32>
      %mul3A_389 = arith.constant 5.000000e-01 : f32
      %mul3A_390 = vector.broadcast %mul3A_389 : f32 to vector<16xf32>
      %mul3A_391 = arith.mulf %mul3A_390, %add3A_388 : vector<16xf32>
      %swap3A_392 = arith.index_cast %scan3A_41 : i32 to index
      %swap3A_393 = arith.constant 320 : index
      %swap3A_394 = tpu.vector_load %arg4[%swap3A_392, %swap3A_393] {strides = array<i32>} : memref<32x512xf32, #tpu.memory_space<vmem>>, vector<1x16xf32>,
      %swap3A_395 = vector.shape_cast %swap3A_394 : vector<1x16xf32> to vector<16xf32>
      %swap3A_396 = vector.shape_cast %mul3A_391 : vector<16xf32> to vector<1x16xf32>
      tpu.vector_store %arg4[%swap3A_392, %swap3A_393], %swap3A_396 {strides = array<i32>} : memref<32x512xf32, #tpu.memory_space<vmem>>, vector<1x16xf32>,
      %get3A_397 = arith.index_cast %scan3A_41 : i32 to index
      %get3A_398 = arith.constant 336 : index
      %get3A_399 = tpu.vector_load %arg4[%get3A_397, %get3A_398] {strides = array<i32>} : memref<32x512xf32, #tpu.memory_space<vmem>>, vector<1x16xf32>,
      %get3A_400 = vector.shape_cast %get3A_399 : vector<1x16xf32> to vector<16xf32>
      %get3A_401 = arith.index_cast %scan3A_41 : i32 to index
      %get3A_402 = arith.constant 336 : index
      %get3A_403 = tpu.vector_load %arg5[%get3A_401, %get3A_402] {strides = array<i32>} : memref<32x512xf32, #tpu.memory_space<vmem>>, vector<1x16xf32>,
      %get3A_404 = vector.shape_cast %get3A_403 : vector<1x16xf32> to vector<16xf32>
      %add3A_405 = arith.addf %get3A_400, %get3A_404 : vector<16xf32>
      %mul3A_406 = arith.constant 5.000000e-01 : f32
      %mul3A_407 = vector.broadcast %mul3A_406 : f32 to vector<16xf32>
      %mul3A_408 = arith.mulf %mul3A_407, %add3A_405 : vector<16xf32>
      %swap3A_409 = arith.index_cast %scan3A_41 : i32 to index
      %swap3A_410 = arith.constant 336 : index
      %swap3A_411 = tpu.vector_load %arg4[%swap3A_409, %swap3A_410] {strides = array<i32>} : memref<32x512xf32, #tpu.memory_space<vmem>>, vector<1x16xf32>,
      %swap3A_412 = vector.shape_cast %swap3A_411 : vector<1x16xf32> to vector<16xf32>
      %swap3A_413 = vector.shape_cast %mul3A_408 : vector<16xf32> to vector<1x16xf32>
      tpu.vector_store %arg4[%swap3A_409, %swap3A_410], %swap3A_413 {strides = array<i32>} : memref<32x512xf32, #tpu.memory_space<vmem>>, vector<1x16xf32>,
      %get3A_414 = arith.index_cast %scan3A_41 : i32 to index
      %get3A_415 = arith.constant 352 : index
      %get3A_416 = tpu.vector_load %arg4[%get3A_414, %get3A_415] {strides = array<i32>} : memref<32x512xf32, #tpu.memory_space<vmem>>, vector<1x16xf32>,
      %get3A_417 = vector.shape_cast %get3A_416 : vector<1x16xf32> to vector<16xf32>
      %get3A_418 = arith.index_cast %scan3A_41 : i32 to index
      %get3A_419 = arith.constant 352 : index
      %get3A_420 = tpu.vector_load %arg5[%get3A_418, %get3A_419] {strides = array<i32>} : memref<32x512xf32, #tpu.memory_space<vmem>>, vector<1x16xf32>,
      %get3A_421 = vector.shape_cast %get3A_420 : vector<1x16xf32> to vector<16xf32>
      %add3A_422 = arith.addf %get3A_417, %get3A_421 : vector<16xf32>
      %mul3A_423 = arith.constant 5.000000e-01 : f32
      %mul3A_424 = vector.broadcast %mul3A_423 : f32 to vector<16xf32>
      %mul3A_425 = arith.mulf %mul3A_424, %add3A_422 : vector<16xf32>
      %swap3A_426 = arith.index_cast %scan3A_41 : i32 to index
      %swap3A_427 = arith.constant 352 : index
      %swap3A_428 = tpu.vector_load %arg4[%swap3A_426, %swap3A_427] {strides = array<i32>} : memref<32x512xf32, #tpu.memory_space<vmem>>, vector<1x16xf32>,
      %swap3A_429 = vector.shape_cast %swap3A_428 : vector<1x16xf32> to vector<16xf32>
      %swap3A_430 = vector.shape_cast %mul3A_425 : vector<16xf32> to vector<1x16xf32>
      tpu.vector_store %arg4[%swap3A_426, %swap3A_427], %swap3A_430 {strides = array<i32>} : memref<32x512xf32, #tpu.memory_space<vmem>>, vector<1x16xf32>,
      %get3A_431 = arith.index_cast %scan3A_41 : i32 to index
      %get3A_432 = arith.constant 368 : index
      %get3A_433 = tpu.vector_load %arg4[%get3A_431, %get3A_432] {strides = array<i32>} : memref<32x512xf32, #tpu.memory_space<vmem>>, vector<1x16xf32>,
      %get3A_434 = vector.shape_cast %get3A_433 : vector<1x16xf32> to vector<16xf32>
      %get3A_435 = arith.index_cast %scan3A_41 : i32 to index
      %get3A_436 = arith.constant 368 : index
      %get3A_437 = tpu.vector_load %arg5[%get3A_435, %get3A_436] {strides = array<i32>} : memref<32x512xf32, #tpu.memory_space<vmem>>, vector<1x16xf32>,
      %get3A_438 = vector.shape_cast %get3A_437 : vector<1x16xf32> to vector<16xf32>
      %add3A_439 = arith.addf %get3A_434, %get3A_438 : vector<16xf32>
      %mul3A_440 = arith.constant 5.000000e-01 : f32
      %mul3A_441 = vector.broadcast %mul3A_440 : f32 to vector<16xf32>
      %mul3A_442 = arith.mulf %mul3A_441, %add3A_439 : vector<16xf32>
      %swap3A_443 = arith.index_cast %scan3A_41 : i32 to index
      %swap3A_444 = arith.constant 368 : index
      %swap3A_445 = tpu.vector_load %arg4[%swap3A_443, %swap3A_444] {strides = array<i32>} : memref<32x512xf32, #tpu.memory_space<vmem>>, vector<1x16xf32>,
      %swap3A_446 = vector.shape_cast %swap3A_445 : vector<1x16xf32> to vector<16xf32>
      %swap3A_447 = vector.shape_cast %mul3A_442 : vector<16xf32> to vector<1x16xf32>
      tpu.vector_store %arg4[%swap3A_443, %swap3A_444], %swap3A_447 {strides = array<i32>} : memref<32x512xf32, #tpu.memory_space<vmem>>, vector<1x16xf32>,
      %get3A_448 = arith.index_cast %scan3A_41 : i32 to index
      %get3A_449 = arith.constant 384 : index
      %get3A_450 = tpu.vector_load %arg4[%get3A_448, %get3A_449] {strides = array<i32>} : memref<32x512xf32, #tpu.memory_space<vmem>>, vector<1x16xf32>,
      %get3A_451 = vector.shape_cast %get3A_450 : vector<1x16xf32> to vector<16xf32>
      %get3A_452 = arith.index_cast %scan3A_41 : i32 to index
      %get3A_453 = arith.constant 384 : index
      %get3A_454 = tpu.vector_load %arg5[%get3A_452, %get3A_453] {strides = array<i32>} : memref<32x512xf32, #tpu.memory_space<vmem>>, vector<1x16xf32>,
      %get3A_455 = vector.shape_cast %get3A_454 : vector<1x16xf32> to vector<16xf32>
      %add3A_456 = arith.addf %get3A_451, %get3A_455 : vector<16xf32>
      %mul3A_457 = arith.constant 5.000000e-01 : f32
      %mul3A_458 = vector.broadcast %mul3A_457 : f32 to vector<16xf32>
      %mul3A_459 = arith.mulf %mul3A_458, %add3A_456 : vector<16xf32>
      %swap3A_460 = arith.index_cast %scan3A_41 : i32 to index
      %swap3A_461 = arith.constant 384 : index
      %swap3A_462 = tpu.vector_load %arg4[%swap3A_460, %swap3A_461] {strides = array<i32>} : memref<32x512xf32, #tpu.memory_space<vmem>>, vector<1x16xf32>,
      %swap3A_463 = vector.shape_cast %swap3A_462 : vector<1x16xf32> to vector<16xf32>
      %swap3A_464 = vector.shape_cast %mul3A_459 : vector<16xf32> to vector<1x16xf32>
      tpu.vector_store %arg4[%swap3A_460, %swap3A_461], %swap3A_464 {strides = array<i32>} : memref<32x512xf32, #tpu.memory_space<vmem>>, vector<1x16xf32>,
      %get3A_465 = arith.index_cast %scan3A_41 : i32 to index
      %get3A_466 = arith.constant 400 : index
      %get3A_467 = tpu.vector_load %arg4[%get3A_465, %get3A_466] {strides = array<i32>} : memref<32x512xf32, #tpu.memory_space<vmem>>, vector<1x16xf32>,
      %get3A_468 = vector.shape_cast %get3A_467 : vector<1x16xf32> to vector<16xf32>
      %get3A_469 = arith.index_cast %scan3A_41 : i32 to index
      %get3A_470 = arith.constant 400 : index
      %get3A_471 = tpu.vector_load %arg5[%get3A_469, %get3A_470] {strides = array<i32>} : memref<32x512xf32, #tpu.memory_space<vmem>>, vector<1x16xf32>,
      %get3A_472 = vector.shape_cast %get3A_471 : vector<1x16xf32> to vector<16xf32>
      %add3A_473 = arith.addf %get3A_468, %get3A_472 : vector<16xf32>
      %mul3A_474 = arith.constant 5.000000e-01 : f32
      %mul3A_475 = vector.broadcast %mul3A_474 : f32 to vector<16xf32>
      %mul3A_476 = arith.mulf %mul3A_475, %add3A_473 : vector<16xf32>
      %swap3A_477 = arith.index_cast %scan3A_41 : i32 to index
      %swap3A_478 = arith.constant 400 : index
      %swap3A_479 = tpu.vector_load %arg4[%swap3A_477, %swap3A_478] {strides = array<i32>} : memref<32x512xf32, #tpu.memory_space<vmem>>, vector<1x16xf32>,
      %swap3A_480 = vector.shape_cast %swap3A_479 : vector<1x16xf32> to vector<16xf32>
      %swap3A_481 = vector.shape_cast %mul3A_476 : vector<16xf32> to vector<1x16xf32>
      tpu.vector_store %arg4[%swap3A_477, %swap3A_478], %swap3A_481 {strides = array<i32>} : memref<32x512xf32, #tpu.memory_space<vmem>>, vector<1x16xf32>,
      %get3A_482 = arith.index_cast %scan3A_41 : i32 to index
      %get3A_483 = arith.constant 416 : index
      %get3A_484 = tpu.vector_load %arg4[%get3A_482, %get3A_483] {strides = array<i32>} : memref<32x512xf32, #tpu.memory_space<vmem>>, vector<1x16xf32>,
      %get3A_485 = vector.shape_cast %get3A_484 : vector<1x16xf32> to vector<16xf32>
      %get3A_486 = arith.index_cast %scan3A_41 : i32 to index
      %get3A_487 = arith.constant 416 : index
      %get3A_488 = tpu.vector_load %arg5[%get3A_486, %get3A_487] {strides = array<i32>} : memref<32x512xf32, #tpu.memory_space<vmem>>, vector<1x16xf32>,
      %get3A_489 = vector.shape_cast %get3A_488 : vector<1x16xf32> to vector<16xf32>
      %add3A_490 = arith.addf %get3A_485, %get3A_489 : vector<16xf32>
      %mul3A_491 = arith.constant 5.000000e-01 : f32
      %mul3A_492 = vector.broadcast %mul3A_491 : f32 to vector<16xf32>
      %mul3A_493 = arith.mulf %mul3A_492, %add3A_490 : vector<16xf32>
      %swap3A_494 = arith.index_cast %scan3A_41 : i32 to index
      %swap3A_495 = arith.constant 416 : index
      %swap3A_496 = tpu.vector_load %arg4[%swap3A_494, %swap3A_495] {strides = array<i32>} : memref<32x512xf32, #tpu.memory_space<vmem>>, vector<1x16xf32>,
      %swap3A_497 = vector.shape_cast %swap3A_496 : vector<1x16xf32> to vector<16xf32>
      %swap3A_498 = vector.shape_cast %mul3A_493 : vector<16xf32> to vector<1x16xf32>
      tpu.vector_store %arg4[%swap3A_494, %swap3A_495], %swap3A_498 {strides = array<i32>} : memref<32x512xf32, #tpu.memory_space<vmem>>, vector<1x16xf32>,
      %get3A_499 = arith.index_cast %scan3A_41 : i32 to index
      %get3A_500 = arith.constant 432 : index
      %get3A_501 = tpu.vector_load %arg4[%get3A_499, %get3A_500] {strides = array<i32>} : memref<32x512xf32, #tpu.memory_space<vmem>>, vector<1x16xf32>,
      %get3A_502 = vector.shape_cast %get3A_501 : vector<1x16xf32> to vector<16xf32>
      %get3A_503 = arith.index_cast %scan3A_41 : i32 to index
      %get3A_504 = arith.constant 432 : index
      %get3A_505 = tpu.vector_load %arg5[%get3A_503, %get3A_504] {strides = array<i32>} : memref<32x512xf32, #tpu.memory_space<vmem>>, vector<1x16xf32>,
      %get3A_506 = vector.shape_cast %get3A_505 : vector<1x16xf32> to vector<16xf32>
      %add3A_507 = arith.addf %get3A_502, %get3A_506 : vector<16xf32>
      %mul3A_508 = arith.constant 5.000000e-01 : f32
      %mul3A_509 = vector.broadcast %mul3A_508 : f32 to vector<16xf32>
      %mul3A_510 = arith.mulf %mul3A_509, %add3A_507 : vector<16xf32>
      %swap3A_511 = arith.index_cast %scan3A_41 : i32 to index
      %swap3A_512 = arith.constant 432 : index
      %swap3A_513 = tpu.vector_load %arg4[%swap3A_511, %swap3A_512] {strides = array<i32>} : memref<32x512xf32, #tpu.memory_space<vmem>>, vector<1x16xf32>,
      %swap3A_514 = vector.shape_cast %swap3A_513 : vector<1x16xf32> to vector<16xf32>
      %swap3A_515 = vector.shape_cast %mul3A_510 : vector<16xf32> to vector<1x16xf32>
      tpu.vector_store %arg4[%swap3A_511, %swap3A_512], %swap3A_515 {strides = array<i32>} : memref<32x512xf32, #tpu.memory_space<vmem>>, vector<1x16xf32>,
      %get3A_516 = arith.index_cast %scan3A_41 : i32 to index
      %get3A_517 = arith.constant 448 : index
      %get3A_518 = tpu.vector_load %arg4[%get3A_516, %get3A_517] {strides = array<i32>} : memref<32x512xf32, #tpu.memory_space<vmem>>, vector<1x16xf32>,
      %get3A_519 = vector.shape_cast %get3A_518 : vector<1x16xf32> to vector<16xf32>
      %get3A_520 = arith.index_cast %scan3A_41 : i32 to index
      %get3A_521 = arith.constant 448 : index
      %get3A_522 = tpu.vector_load %arg5[%get3A_520, %get3A_521] {strides = array<i32>} : memref<32x512xf32, #tpu.memory_space<vmem>>, vector<1x16xf32>,
      %get3A_523 = vector.shape_cast %get3A_522 : vector<1x16xf32> to vector<16xf32>
      %add3A_524 = arith.addf %get3A_519, %get3A_523 : vector<16xf32>
      %mul3A_525 = arith.constant 5.000000e-01 : f32
      %mul3A_526 = vector.broadcast %mul3A_525 : f32 to vector<16xf32>
      %mul3A_527 = arith.mulf %mul3A_526, %add3A_524 : vector<16xf32>
      %swap3A_528 = arith.index_cast %scan3A_41 : i32 to index
      %swap3A_529 = arith.constant 448 : index
      %swap3A_530 = tpu.vector_load %arg4[%swap3A_528, %swap3A_529] {strides = array<i32>} : memref<32x512xf32, #tpu.memory_space<vmem>>, vector<1x16xf32>,
      %swap3A_531 = vector.shape_cast %swap3A_530 : vector<1x16xf32> to vector<16xf32>
      %swap3A_532 = vector.shape_cast %mul3A_527 : vector<16xf32> to vector<1x16xf32>
      tpu.vector_store %arg4[%swap3A_528, %swap3A_529], %swap3A_532 {strides = array<i32>} : memref<32x512xf32, #tpu.memory_space<vmem>>, vector<1x16xf32>,
      %get3A_533 = arith.index_cast %scan3A_41 : i32 to index
      %get3A_534 = arith.constant 464 : index
      %get3A_535 = tpu.vector_load %arg4[%get3A_533, %get3A_534] {strides = array<i32>} : memref<32x512xf32, #tpu.memory_space<vmem>>, vector<1x16xf32>,
      %get3A_536 = vector.shape_cast %get3A_535 : vector<1x16xf32> to vector<16xf32>
      %get3A_537 = arith.index_cast %scan3A_41 : i32 to index
      %get3A_538 = arith.constant 464 : index
      %get3A_539 = tpu.vector_load %arg5[%get3A_537, %get3A_538] {strides = array<i32>} : memref<32x512xf32, #tpu.memory_space<vmem>>, vector<1x16xf32>,
      %get3A_540 = vector.shape_cast %get3A_539 : vector<1x16xf32> to vector<16xf32>
      %add3A_541 = arith.addf %get3A_536, %get3A_540 : vector<16xf32>
      %mul3A_542 = arith.constant 5.000000e-01 : f32
      %mul3A_543 = vector.broadcast %mul3A_542 : f32 to vector<16xf32>
      %mul3A_544 = arith.mulf %mul3A_543, %add3A_541 : vector<16xf32>
      %swap3A_545 = arith.index_cast %scan3A_41 : i32 to index
      %swap3A_546 = arith.constant 464 : index
      %swap3A_547 = tpu.vector_load %arg4[%swap3A_545, %swap3A_546] {strides = array<i32>} : memref<32x512xf32, #tpu.memory_space<vmem>>, vector<1x16xf32>,
      %swap3A_548 = vector.shape_cast %swap3A_547 : vector<1x16xf32> to vector<16xf32>
      %swap3A_549 = vector.shape_cast %mul3A_544 : vector<16xf32> to vector<1x16xf32>
      tpu.vector_store %arg4[%swap3A_545, %swap3A_546], %swap3A_549 {strides = array<i32>} : memref<32x512xf32, #tpu.memory_space<vmem>>, vector<1x16xf32>,
      %get3A_550 = arith.index_cast %scan3A_41 : i32 to index
      %get3A_551 = arith.constant 480 : index
      %get3A_552 = tpu.vector_load %arg4[%get3A_550, %get3A_551] {strides = array<i32>} : memref<32x512xf32, #tpu.memory_space<vmem>>, vector<1x16xf32>,
      %get3A_553 = vector.shape_cast %get3A_552 : vector<1x16xf32> to vector<16xf32>
      %get3A_554 = arith.index_cast %scan3A_41 : i32 to index
      %get3A_555 = arith.constant 480 : index
      %get3A_556 = tpu.vector_load %arg5[%get3A_554, %get3A_555] {strides = array<i32>} : memref<32x512xf32, #tpu.memory_space<vmem>>, vector<1x16xf32>,
      %get3A_557 = vector.shape_cast %get3A_556 : vector<1x16xf32> to vector<16xf32>
      %add3A_558 = arith.addf %get3A_553, %get3A_557 : vector<16xf32>
      %mul3A_559 = arith.constant 5.000000e-01 : f32
      %mul3A_560 = vector.broadcast %mul3A_559 : f32 to vector<16xf32>
      %mul3A_561 = arith.mulf %mul3A_560, %add3A_558 : vector<16xf32>
      %swap3A_562 = arith.index_cast %scan3A_41 : i32 to index
      %swap3A_563 = arith.constant 480 : index
      %swap3A_564 = tpu.vector_load %arg4[%swap3A_562, %swap3A_563] {strides = array<i32>} : memref<32x512xf32, #tpu.memory_space<vmem>>, vector<1x16xf32>,
      %swap3A_565 = vector.shape_cast %swap3A_564 : vector<1x16xf32> to vector<16xf32>
      %swap3A_566 = vector.shape_cast %mul3A_561 : vector<16xf32> to vector<1x16xf32>
      tpu.vector_store %arg4[%swap3A_562, %swap3A_563], %swap3A_566 {strides = array<i32>} : memref<32x512xf32, #tpu.memory_space<vmem>>, vector<1x16xf32>,
      %get3A_567 = arith.index_cast %scan3A_41 : i32 to index
      %get3A_568 = arith.constant 496 : index
      %get3A_569 = tpu.vector_load %arg4[%get3A_567, %get3A_568] {strides = array<i32>} : memref<32x512xf32, #tpu.memory_space<vmem>>, vector<1x16xf32>,
      %get3A_570 = vector.shape_cast %get3A_569 : vector<1x16xf32> to vector<16xf32>
      %get3A_571 = arith.index_cast %scan3A_41 : i32 to index
      %get3A_572 = arith.constant 496 : index
      %get3A_573 = tpu.vector_load %arg5[%get3A_571, %get3A_572] {strides = array<i32>} : memref<32x512xf32, #tpu.memory_space<vmem>>, vector<1x16xf32>,
      %get3A_574 = vector.shape_cast %get3A_573 : vector<1x16xf32> to vector<16xf32>
      %add3A_575 = arith.addf %get3A_570, %get3A_574 : vector<16xf32>
      %mul3A_576 = arith.constant 5.000000e-01 : f32
      %mul3A_577 = vector.broadcast %mul3A_576 : f32 to vector<16xf32>
      %mul3A_578 = arith.mulf %mul3A_577, %add3A_575 : vector<16xf32>
      %swap3A_579 = arith.index_cast %scan3A_41 : i32 to index
      %swap3A_580 = arith.constant 496 : index
      %swap3A_581 = tpu.vector_load %arg4[%swap3A_579, %swap3A_580] {strides = array<i32>} : memref<32x512xf32, #tpu.memory_space<vmem>>, vector<1x16xf32>,
      %swap3A_582 = vector.shape_cast %swap3A_581 : vector<1x16xf32> to vector<16xf32>
      %swap3A_583 = vector.shape_cast %mul3A_578 : vector<16xf32> to vector<1x16xf32>
      tpu.vector_store %arg4[%swap3A_579, %swap3A_580], %swap3A_583 {strides = array<i32>} : memref<32x512xf32, #tpu.memory_space<vmem>>, vector<1x16xf32>,
    }
    %scan3A_28 = arith.constant 32 : i32
    %dma_start3A_29 = arith.constant 0 : i32
    %dma_start3A_30 = tpu.memref_slice %arg3[%arg1, %mul3A_0, %dma_start3A_29] : memref<16x64x512xf32, #tpu.memory_space<hbm>> -> memref<1x32x512xf32, #tpu.memory_space<hbm>>
    %dma_start3A_31 = tpu.memref_squeeze %dma_start3A_30 : memref<1x32x512xf32, #tpu.memory_space<hbm>> -> memref<32x512xf32, #tpu.memory_space<hbm>>
    %dma_start3A_32 = arith.constant 0 : i32
    %dma_start3A_33 = tpu.memref_slice %arg3[%arg1, %mul3A_0, %dma_start3A_32] : memref<16x64x512xf32, #tpu.memory_space<hbm>> -> memref<1x32x512xf32, #tpu.memory_space<hbm>>
    %dma_start3A_34 = tpu.memref_squeeze %dma_start3A_33 : memref<1x32x512xf32, #tpu.memory_space<hbm>> -> memref<32x512xf32, #tpu.memory_space<hbm>>
    tpu.enqueue_dma source(%arg4 : memref<32x512xf32, #tpu.memory_space<vmem>>) target(%dma_start3A_34 : memref<32x512xf32, #tpu.memory_space<hbm>>) target_semaphore(%arg6 : memref<!tpu.dma_semaphore, #tpu.memory_space<semaphore_mem>>)
    %dma_wait3A_35 = arith.constant 0 : i32
    %dma_wait3A_36 = tpu.memref_slice %arg3[%arg1, %mul3A_0, %dma_wait3A_35] : memref<16x64x512xf32, #tpu.memory_space<hbm>> -> memref<1x32x512xf32, #tpu.memory_space<hbm>>
    %dma_wait3A_37 = tpu.memref_squeeze %dma_wait3A_36 : memref<1x32x512xf32, #tpu.memory_space<hbm>> -> memref<32x512xf32, #tpu.memory_space<hbm>>
    %dma_wait3A_38 = arith.constant 0 : i32
    %dma_wait3A_39 = tpu.memref_slice %arg3[%arg1, %mul3A_0, %dma_wait3A_38] : memref<16x64x512xf32, #tpu.memory_space<hbm>> -> memref<1x32x512xf32, #tpu.memory_space<hbm>>
    %dma_wait3A_40 = tpu.memref_squeeze %dma_wait3A_39 : memref<1x32x512xf32, #tpu.memory_space<hbm>> -> memref<32x512xf32, #tpu.memory_space<hbm>>
    tpu.wait_dma2 semaphore(%arg6 : memref<!tpu.dma_semaphore, #tpu.memory_space<semaphore_mem>>) src(%arg4 : memref<32x512xf32, #tpu.memory_space<vmem>>) dst(%dma_wait3A_40 : memref<32x512xf32, #tpu.memory_space<hbm>>)
    return
  }
}

module attributes {stable_mosaic.version = 14 : i64} {
  func.func @_tc_body(%arg0: i32, %arg1: i32, %arg2: memref<1x2080x512xf32, #tpu.memory_space<vmem>>, %arg3: memref<1x64x512xf32, #tpu.memory_space<vmem>>, %arg4: memref<1x2080x512xf32, #tpu.memory_space<vmem>>) attributes {dimension_semantics = [#tpu.dimension_semantics<arbitrary>, #tpu.dimension_semantics<arbitrary>], iteration_bounds = array<i64: 16, 2>, scalar_prefetch = 0 : i64, scratch_operands = 0 : i64, tpu.core_type = #tpu.core_type<tc>, window_params = [{transform_indices = @transform_0, window_bounds = array<i64: 1, 2080, 512>}, {transform_indices = @transform_1, window_bounds = array<i64: 1, 64, 512>}, {transform_indices = @transform_2, window_bounds = array<i64: 1, 2080, 512>}]} {
    %lt3A = arith.constant 1 : i32
    %lt3A_0 = arith.cmpi slt, %arg1, %lt3A : i32
    %convert_element_type3A = arith.extui %lt3A_0 : i1 to i32
    %cond3A = arith.constant 0 : i32
    %cond3A_1 = arith.cmpi ne, %convert_element_type3A, %cond3A : i32
    scf.if %cond3A_1 {
      %get3A = arith.constant 0 : index
      %get3A_6 = arith.constant 0 : index
      %get3A_7 = arith.constant 0 : index
      %get3A_8 = vector.load %arg2[%get3A, %get3A_6, %get3A_7] : memref<1x2080x512xf32, #tpu.memory_space<vmem>>, vector<1x2080x512xf32>
      %swap3A = arith.constant 0 : index
      %swap3A_9 = arith.constant 0 : index
      %swap3A_10 = arith.constant 0 : index
      %swap3A_11 = vector.load %arg4[%swap3A, %swap3A_9, %swap3A_10] : memref<1x2080x512xf32, #tpu.memory_space<vmem>>, vector<1x2080x512xf32>
      tpu.vector_store %arg4[%swap3A, %swap3A_9, %swap3A_10], %get3A_8 {strides = array<i32>} : memref<1x2080x512xf32, #tpu.memory_space<vmem>>, vector<1x2080x512xf32>,
    } else {
    }
    %eq3A = arith.constant 1 : i32
    %eq3A_2 = arith.cmpi eq, %arg1, %eq3A : i32
    %convert_element_type3A_3 = arith.extui %eq3A_2 : i1 to i32
    %cond3A_4 = arith.constant 0 : i32
    %cond3A_5 = arith.cmpi ne, %convert_element_type3A_3, %cond3A_4 : i32
    scf.if %cond3A_5 {
      %get3A = arith.constant 0 : index
      %get3A_6 = arith.constant 0 : index
      %get3A_7 = arith.constant 0 : index
      %get3A_8 = vector.load %arg2[%get3A, %get3A_6, %get3A_7] : memref<1x2080x512xf32, #tpu.memory_space<vmem>>, vector<1x2016x512xf32>
      %get3A_9 = vector.shape_cast %get3A_8 : vector<1x2016x512xf32> to vector<2016x512xf32>
      %swap3A = arith.constant 0 : index
      %swap3A_10 = arith.constant 0 : index
      %swap3A_11 = arith.constant 0 : index
      %swap3A_12 = vector.load %arg4[%swap3A, %swap3A_10, %swap3A_11] : memref<1x2080x512xf32, #tpu.memory_space<vmem>>, vector<1x2016x512xf32>
      %swap3A_13 = vector.shape_cast %swap3A_12 : vector<1x2016x512xf32> to vector<2016x512xf32>
      %swap3A_14 = vector.shape_cast %get3A_9 : vector<2016x512xf32> to vector<1x2016x512xf32>
      tpu.vector_store %arg4[%swap3A, %swap3A_10, %swap3A_11], %swap3A_14 {strides = array<i32>} : memref<1x2080x512xf32, #tpu.memory_space<vmem>>, vector<1x2016x512xf32>,
      %get3A_15 = arith.constant 0 : index
      %get3A_16 = arith.constant 0 : index
      %get3A_17 = arith.constant 0 : index
      %get3A_18 = vector.load %arg3[%get3A_15, %get3A_16, %get3A_17] : memref<1x64x512xf32, #tpu.memory_space<vmem>>, vector<1x64x512xf32>
      %get3A_19 = vector.shape_cast %get3A_18 : vector<1x64x512xf32> to vector<64x512xf32>
      %swap3A_20 = arith.constant 0 : index
      %swap3A_21 = arith.constant 2016 : index
      %swap3A_22 = arith.constant 0 : index
      %swap3A_23 = vector.load %arg4[%swap3A_20, %swap3A_21, %swap3A_22] : memref<1x2080x512xf32, #tpu.memory_space<vmem>>, vector<1x64x512xf32>
      %swap3A_24 = vector.shape_cast %swap3A_23 : vector<1x64x512xf32> to vector<64x512xf32>
      %swap3A_25 = vector.shape_cast %get3A_19 : vector<64x512xf32> to vector<1x64x512xf32>
      tpu.vector_store %arg4[%swap3A_20, %swap3A_21, %swap3A_22], %swap3A_25 {strides = array<i32>} : memref<1x2080x512xf32, #tpu.memory_space<vmem>>, vector<1x64x512xf32>,
    } else {
    }
    return
  }
  func.func @transform_0(%arg0: i32, %arg1: i32) -> (i32, i32, i32) {
    %c0_i32 = arith.constant 0 : i32
    %c0_i32_0 = arith.constant 0 : i32
    return %arg0, %arg1, %c0_i32 : i32, i32, i32
  }
  func.func @transform_1(%arg0: i32, %arg1: i32) -> (i32, i32, i32) {
    %c0_i32 = arith.constant 0 : i32
    %c0_i32_0 = arith.constant 0 : i32
    %c0_i32_1 = arith.constant 0 : i32
    return %arg0, %c0_i32, %c0_i32_0 : i32, i32, i32
  }
  func.func @transform_2(%arg0: i32, %arg1: i32) -> (i32, i32, i32) {
    %c0_i32 = arith.constant 0 : i32
    %c0_i32_0 = arith.constant 0 : i32
    return %arg0, %arg1, %c0_i32 : i32, i32, i32
  }
}

</mosaic_0001>

<sc_bundles>
// kernel: kernel.4.cloned.1.call-start
scs
__scs_entry_jumppad:
0x0: {  	(pc) =	sbr.rel $0x88, $3  }
0x1: {  	(tag) =	ssettag $0x0;
	lr =	simm.s32 $0x1  }
0x2: {  	[smem:$0x3FA0] =	sst lr;
	_ =	strace $0xD0000000  }
0x3: {  	_ = 	snop  }
0x4: {  	_ = 	snop  }
0x5: {  	_ = 	snop  }
0x6: {  	_ = 	snop  }
0x7: {  	_ = 	snop  }
__scs_overlays_trampoline_lowered:
0x8: {  	[smem:$0x3FAF] =	sst s0  }
0x9: {  	[smem:$0x3FB0] =	sst s1  }
0xa: {  	[smem:$0x3FB1] =	sst s2  }
0xb: {  	[smem:$0x3FB2] =	sst s3  }
0xc: {  	[smem:$0x3FB3] =	sst s4  }
0xd: {  	[smem:$0x3FB4] =	sst s5  }
0xe: {  	[smem:$0x3FB5] =	sst s6  }
0xf: {  	[smem:$0x3FB6] =	sst s7  }
0x10: {  	[smem:$0x3FB7] =	sst s8  }
0x11: {  	[smem:$0x3FB8] =	sst s9;
	s0 =	simm.s32 @!p0 $0x0  }
0x12: {  	s1 =	sld [smem:$0x3F9E];
	s0 =	simm.s32 @p0 $0x1  }
0x13: {  	[smem:$0x3FB9] =	sst s0;
	s0 =	simm.s32 @!p1 $0x0  }
0x14: {  	s2 =	sld [smem:$0x3F9D];
	s0 =	simm.s32 @p1 $0x1  }
0x15: {  	[smem:$0x3FBA] =	sst s0;
	s0 =	simm.s32 @!p2 $0x0  }
0x16: {  	s3 =	sld [smem:$0x3FDB];
	s0 =	simm.s32 @p2 $0x1  }
0x17: {  	s4 =	simm.s32 $0x1BF5;
	[smem:$0x3FBC] =	sst s0  }
0x18: {  	s0 =	sld [smem:$0x3F9F];
	_ =	swait.ge [sflag:s4], $0x0  }
0x19: {  	s7 =	sld [smem:$0x3FA0]  }
0x1a: {  	s8 =	sadd.s32 $0xFFFFE003, lr  }
0x1b: {  	s9 =	sadd.s32 $0xFFFFFEF7, lr;
	s5 =	simm.s32 $0xFFFFFFFF;
	p2 =	slt.u32 s8, $0xFFFFF086  }
0x1c: {  	p1 =	slt.u32 s9, $0xF7A;
	s5 =	simm.s32 @!p2 $0x0  }
0x1d: {  	s5 =	simm.s32 @p1 $0x1;
	p0 =	seq.s32 s7, s2  }
0x1e: {  	s7 =	smul.u32 @!p0 $0xF7A, s2;
	p2 =	seq.s32 @!p0 s5, $0x0  }
0x1f: {  	s9 =	smul.u32 $0xF7A, s1;
	s8 =	simm.s32 @!p0 $0x1BF5;
	p2 =	por !p2, p0  }
0x20: {  	[sflag:s8] =	ssyncset.s32 @!p0 $0xFFFFF086;
	s6 =	sadd.s32 @!p0 s3, s7;
	s7 =	simm.s32 @!p0 $0x108  }
0x21: {  	s3 =	sadd.s32 s3, s9;
	s6 =	sadd.s32 @!p0 $0x88, s6;
	s7 =	simm.s32 @p2 $0x1082  }
0x22: {  	[simem:s7], [sflag:s8] =	dma.local @!p0 [hbm:s6], $0xF7A  }
0x23: {  	s9 =	sor.u32 $0xD0000000, s2;
	s6 =	simm.s32 $0x108;
	_ =	swait.ge @!p0 [sflag:s8], $0x0  }
0x24: {  	s3 =	sadd.s32 $0x88, s3;
	s6 =	simm.s32 @!p1 $0x1082;
	[sflag:s4] =	ssyncset.s32 $0xFFFFF086  }
0x25: {  	[simem:s6], [sflag:s4] =	dma.local [hbm:s3], $0xF7A  }
0x26: {  	[smem:$0x3FA0] =	sst s1;
	(tag) =	ssettag s2;
	_ =	strace s9  }
0x27: {  	s1 =	sld [smem:$0x3FB0]  }
0x28: {  	s2 =	sld [smem:$0x3FB1]  }
0x29: {  	s4 =	sld [smem:$0x3FB3]  }
0x2a: {  	p0 =	seq.s32 s5, $0x0;
	s5 =	sld [smem:$0x3FB4]  }
0x2b: {  	s6 =	sld [smem:$0x3FB5]  }
0x2c: {  	s7 =	sld [smem:$0x3FB6]  }
0x2d: {  	s3 =	simm.s32 $0x108;
	s8 =	sld [smem:$0x3FB7]  }
0x2e: {  	s3 =	simm.s32 @!p0 $0x1082;
	s9 =	sld [smem:$0x3FB8]  }
0x2f: {  	lr =	sadd.s32 s0, s3;
	s0 =	sld [smem:$0x3FAF]  }
0x30: {  	s3 =	sld [smem:$0x3FB2]  }
0x31: {  	[smem:$0x3FBB] =	sst s10  }
0x32: {  	s10 =	sld [smem:$0x3FB9];
	_ =	sdelay $0x3  }
0x33: {  	p0 =	seq.s32 s10, $0x1;
	s10 =	sld [smem:$0x3FBB];
	_ =	sdelay $0x3  }
0x34: {  	[smem:$0x3FBB] =	sst s10  }
0x35: {  	s10 =	sld [smem:$0x3FBA];
	_ =	sdelay $0x3  }
0x36: {  	p1 =	seq.s32 s10, $0x1;
	s10 =	sld [smem:$0x3FBB];
	_ =	sdelay $0x3  }
0x37: {  	[smem:$0x3FBB] =	sst s10  }
0x38: {  	s10 =	sld [smem:$0x3FBC]  }
0x39: {  	_ = 	snop;
	(pc) =	sbr.ind lr, $3  }
0x3a: {  	_ = 	snop  }
0x3b: {  	_ = 	snop  }
0x3c: {  	p2 =	seq.s32 s10, $0x1;
	s10 =	sld [smem:$0x3FBB]  }
0x3d: {  	_ =	shalt  }
0x3e: {  	_ =	shalt  }
0x3f: {  	_ =	shalt  }
0x40: {  	_ =	shalt  }
0x41: {  	_ =	shalt  }
0x42: {  	_ =	shalt  }
0x43: {  	_ =	shalt  }
0x44: {  	_ =	shalt  }
0x45: {  	_ =	shalt  }
0x46: {  	_ =	shalt  }
0x47: {  	_ =	shalt  }
0x48: {  	_ =	shalt  }
0x49: {  	_ =	shalt  }
0x4a: {  	_ =	shalt  }
0x4b: {  	_ =	shalt  }
0x4c: {  	_ =	shalt  }
0x4d: {  	_ =	shalt  }
0x4e: {  	_ =	shalt  }
0x4f: {  	_ =	shalt  }
0x50: {  	_ =	shalt  }
0x51: {  	_ =	shalt  }
0x52: {  	_ =	shalt  }
0x53: {  	_ =	shalt  }
0x54: {  	_ =	shalt  }
0x55: {  	_ =	shalt  }
0x56: {  	_ =	shalt  }
0x57: {  	_ =	shalt  }
0x58: {  	_ =	shalt  }
0x59: {  	_ =	shalt  }
0x5a: {  	_ =	shalt  }
0x5b: {  	_ =	shalt  }
0x5c: {  	_ =	shalt  }
0x5d: {  	_ =	shalt  }
0x5e: {  	_ =	shalt  }
0x5f: {  	_ =	shalt  }
0x60: {  	_ =	shalt  }
0x61: {  	_ =	shalt  }
0x62: {  	_ =	shalt  }
0x63: {  	_ =	shalt  }
0x64: {  	_ =	shalt  }
0x65: {  	_ =	shalt  }
0x66: {  	_ =	shalt  }
0x67: {  	_ =	shalt  }
0x68: {  	_ =	shalt  }
0x69: {  	_ =	shalt  }
0x6a: {  	_ =	shalt  }
0x6b: {  	_ =	shalt  }
0x6c: {  	_ =	shalt  }
0x6d: {  	_ =	shalt  }
0x6e: {  	_ =	shalt  }
0x6f: {  	_ =	shalt  }
0x70: {  	_ =	shalt  }
0x71: {  	_ =	shalt  }
0x72: {  	_ =	shalt  }
0x73: {  	_ =	shalt  }
0x74: {  	_ =	shalt  }
0x75: {  	_ =	shalt  }
0x76: {  	_ =	shalt  }
0x77: {  	_ =	shalt  }
0x78: {  	_ =	shalt  }
0x79: {  	_ =	shalt  }
0x7a: {  	_ =	shalt  }
0x7b: {  	_ =	shalt  }
0x7c: {  	_ =	shalt  }
0x7d: {  	_ =	shalt  }
0x7e: {  	_ =	shalt  }
0x7f: {  	_ =	shalt  }
0x80: {  	_ =	shalt  }
0x81: {  	_ =	shalt  }
0x82: {  	_ =	shalt  }
0x83: {  	_ =	shalt  }
0x84: {  	_ =	shalt  }
0x85: {  	_ =	shalt  }
0x86: {  	_ =	shalt  }
0x87: {  	_ =	shalt  }
.Lfunc_end0:
.L_simem_size_0:
called_computation_lowered:
.L_overlay_start_0:
0x88: {  	s2 =	sld [smem:$0x3FD9]  }
0x89: {  	s3 =	sld [smem:$0x3FFE];
	_ =	sdelay $0x1  }
0x8a: {  	s1 =	srdreg.scid  }
0x8b: {  	s0 =	sand.u32 $0x1, s1  }
0x8c: {  	s18 =	sshll.u32 s0, $0xA;
	s2 =	sadd.s32 s3, s2  }
0x8d: {  	s2 =	sadd.s32 s2, s18  }
0x8e: {  	[smem:$0x3FC7] =	sst s2  }
0x8f: {  	_ = 	snop  }
0x90: {  	s2 =	sld [smem:$0x3FC9]  }
0x91: {  	s19 =	sld [smem:$0x3FD0];
	(tm) =	ssettm $0x1  }
0x92: {  	s4 =	sld [smem:$0x3FFB];
	_ =	sdelay $0x3  }
0x93: {  	_ =	strace s4  }
0x94: {  	s4 =	sld [smem:$0x3FFC];
	_ =	sdelay $0x3  }
0x95: {  	_ =	strace s4  }
0x96: {  	s4 =	sld [smem:$0x3FFD];
	_ =	sdelay $0x3  }
0x97: {  	_ =	strace s4  }
0x98: {  	_ =	strace $0x8FFFFFFF  }
0x99: {  	s20 =	sld [smem:$0x3FDB];
	_ =	sdelay $0x1  }
0x9a: {  	s5 =	simm.s32 $_scs_section_size  }
0x9b: {  	s6 =	simm.s32 $_size__tile_overlayer_lowered;
	s7 =	simm.s32 $_tile_overlayer_lowered  }
0x9c: {  	s23 =	simm.s32 $0x1BFF;
	s22 =	sshll.u32 s7, $0x1;
	s4 =	sadd.s32 s5, s20  }
0x9d: {  	s8 =	simm.s32 $0x0;
	s21 =	sshll.u32 s6, $0x1;
	s6 =	sadd.s32 s22, s4  }
0x9e: {  	[timem:s8], [sflag:s23] =	dma.local [hbm:s6], s21  }
0x9f: {  	_ =	swait.ge [sflag:s23], s21  }
0xa0: {  	s5 =	ssub.s32 $0x0, s21;
	[sflag:s23] =	ssyncset.done $0x0  }
0xa1: {  	[sflag:s23] =	ssyncadd.s32 s5;
	_ =	sdelay $0x1  }
0xa2: {  	s24 =	simm.s32 $0x1B8B  }
0xa3: {  	_ =	swait.ge [sflag:s24], $0x1  }
0xa4: {  	[sflag:s24] =	ssyncset.done $0x0  }
0xa5: {  	s25 =	simm.s32 $0x1B8E;
	[sflag:s24] =	ssyncadd.s32 $0xFFFFFFFF  }
0xa6: {  	s26 =	simm.s32 $execute0_lowered;
	[smem:$0x3FD2] =	sst s25  }
0xa7: {  	s5 =	sshll.u32 s26, $0x1;
	_ =	strace $0x80000046;
	[dreg:$0x1] =	wrdreg $0xFFFFFFFF  }
0xa8: {  	s28 =	simm.s32 $_size_execute0_lowered;
	s4 =	sadd.s32 s4, s5;
	[dreg:$0x0] =	wrdreg $0x0  }
0xa9: {  	s5 =	sshll.u32 s28, $0x1;
	[dreg:$0x2] =	wrdreg s4  }
0xaa: {  	[dreg:$0x3] =	wrdreg s5  }
0xab: {  	[dreg:$0x4] =	wrdreg $0xC0  }
0xac: {  	_ =	task [dreg:s8], $0x5FFFF  }
0xad: {  	[dreg:$0x1] =	wrdreg $0xFFFFFFFF  }
0xae: {  	[dreg:$0x0] =	wrdreg $0x60  }
0xaf: {  	[dreg:$0x2] =	wrdreg s2  }
0xb0: {  	[dreg:$0x3] =	wrdreg s19  }
0xb1: {  	[dreg:$0x4] =	wrdreg $0x9  }
0xb2: {  	_ =	task.clear_ibuf [dreg:s8], $0x5FFFF;
	_ =	strace $0x90000046  }
0xb3: {  	s29 =	simm.s32 $0x9;
	_ =	strace $0x80000048  }
0xb4: {  	_ =	swait.ge [sflag:s29], $0x1  }
0xb5: {  	[sflag:s29] =	ssyncadd.s32 $0xFFFFFFFF  }
0xb6: {  	_ =	strace $0x90000048  }
0xb7: {  	_ =	sfence  }
0xb8: {  	s30 =	sld [smem:$0x0];
	_ =	sdelay $0x2  }
0xb9: {  	s31 =	sshll.u32 s1, $0xD;
	s1 =	sshrl.u32 s1, $0x2  }
0xba: {  	s3 =	sand.u32 $0x4000, s31;
	s1 =	sadd.s32 s1, s30  }
0xbb: {  	s0 =	sor.u32 s3, s0;
	s1 =	sshll.u32 s1, $0x11  }
0xbc: {  	s0 =	sor.u32 s1, s0  }
0xbd: {  	s0 =	sadd.s32 $0x8F2B, s0  }
0xbe: {  	[sflag:s0] =	ssyncadd.remote.s32 $0x1  }
0xbf: {  	_ =	sfence.sel $0xFFFF  }
0xc0: {  	[dreg:$0x0] =	wrdreg $0xFFFFFFFF;
	(pc) =	sbr.abs _section_cstart, $3  }
0xc1: {  	[dreg:$0x1] =	wrdreg $0xFFFFFFFF  }
0xc2: {  	_ =	task.clear_ibuf [dreg:s8], $0x2FFFF;
	_ =	strace $0x9FFFFFFF  }
0xc3: {  	(tm) =	ssettm $0x7FFFFFFF  }
tec
execute0_lowered:
.L_overlay_start_1:
0x0: {  	(tag) =	ssettag $0x1  }
0x1: {  	s3 =	rddreg [dreg:$0x0]  }
0x2: {  	s5 =	rddreg [dreg:$0x1]  }
0x3: {  	s0 =	rddreg [dreg:$0x2];
	s2 =	simm.s32 $0x0;
	s4 =	srdreg.scid  }
0x4: {  	s1 =	stileid.u32;
	[smem:$0x7FF] =	sst s2;
	s4 =	sand.u32 $0x1, s4  }
0x5: {  	s7 =	sshll.u32 s1, $0x15;
	s8 =	sshll.u32 s1, $0xF;
	s6 =	sshll.u32 s4, $0xE  }
0x6: {  	_ =	strace $0x80000047;
	s4 =	ssub.s32 $0x2, s4;
	s7 =	sor.u32 s6, s7  }
0x7: {  	s9 =	sshrl.u32 s4, $0x1;
	s6 =	sor.u32 s6, s8;
	s8 =	simm.s32 $0x1  }
0x8: {  	s7 =	sshrl.u32 s7, $0x3;
	s31 =	ssub.s32 s4, s9;
	s6 =	sshrl.u32 s6, $0x3  }
0x9: {  	s9 =	simm.s32 $0x0;
	s3 =	sadd.s32 s3, s7;
	s5 =	sadd.s32 s5, s6  }
0xa: {  	s6 =	smax.u32 s31, $0x1;
	s7 =	simm.s32 $0x4000;
	s4 =	sadd.s32 $0x20000, s3  }
.LBB2_1:
0xb: {  	[tilespmem:s2], [sflag:$0x1] =	stream.linear.gather [hbm4b:s3+s2], $0x4000, $0x38;
	[tilespmem:$0x8000] =	vst v63  }
0xc: {  	_ = 	snop  }
0xd: {  	[tilespmem:s7], [sflag:$0x1] =	stream.linear.gather [hbm4b:s4+s2], $0x4000, $0x38;
	[tilespmem:$0x8000] =	vst v63  }
0xe: {  	_ =	swait.ge [sflag:s8], $0x4000  }
0xf: {  	[sflag:s8] =	ssyncset.done $0x0  }
0x10: {  	[sflag:s8] =	ssyncadd.s32 $0xFFFFC000  }
0x11: {  	_ =	swait.ge [sflag:s8], $0x4000  }
0x12: {  	s10 =	sand.u32 $0x3000, s2;
	s11 =	sand.u32 $0x380, s2;
	[sflag:s8] =	ssyncset.done $0x0  }
0x13: {  	s10 =	sor.u32 s11, s10;
	[sflag:s8] =	ssyncadd.s32 $0xFFFFC000  }
0x14: {  	v7 =	vld [tilespmem:s10+$0x4000]  }
0x15: {  	v8 =	vld [tilespmem:s10+$0x4010]  }
0x16: {  	v9 =	vld [tilespmem:s10+$0x4020]  }
0x17: {  	v10 =	vld [tilespmem:s10+$0x4030]  }
0x18: {  	v11 =	vld [tilespmem:s10+$0x4040]  }
0x19: {  	v12 =	vld [tilespmem:s10+$0x4050]  }
0x1a: {  	v13 =	vld [tilespmem:s10+$0x4060]  }
0x1b: {  	v14 =	vld [tilespmem:s10+$0x4070]  }
0x1c: {  	v15 =	vld [tilespmem:s10+$0x4400]  }
0x1d: {  	v16 =	vld [tilespmem:s10+$0x4410]  }
0x1e: {  	v17 =	vld [tilespmem:s10+$0x4420]  }
0x1f: {  	v18 =	vld [tilespmem:s10+$0x4430]  }
0x20: {  	v19 =	vld [tilespmem:s10+$0x4440]  }
0x21: {  	v20 =	vld [tilespmem:s10+$0x4450]  }
0x22: {  	v21 =	vld [tilespmem:s10+$0x4460]  }
0x23: {  	v22 =	vld [tilespmem:s10+$0x4470]  }
0x24: {  	v23 =	vld [tilespmem:s10+$0x4800]  }
0x25: {  	v24 =	vld [tilespmem:s10+$0x4810]  }
0x26: {  	v25 =	vld [tilespmem:s10+$0x4820]  }
0x27: {  	v26 =	vld [tilespmem:s10+$0x4830]  }
0x28: {  	v27 =	vld [tilespmem:s10+$0x4840]  }
0x29: {  	v28 =	vld [tilespmem:s10+$0x4850]  }
0x2a: {  	v29 =	vld [tilespmem:s10+$0x4860]  }
0x2b: {  	v30 =	vld [tilespmem:s10+$0x4870]  }
0x2c: {  	v31 =	vld [tilespmem:s10+$0x4C00]  }
0x2d: {  	v6 =	vld [tilespmem:s10+$0x4C10]  }
0x2e: {  	v5 =	vld [tilespmem:s10+$0x4C20]  }
0x2f: {  	v4 =	vld [tilespmem:s10+$0x4C30]  }
0x30: {  	v3 =	vld [tilespmem:s10+$0x4C40]  }
0x31: {  	v2 =	vld [tilespmem:s10+$0x4C50]  }
0x32: {  	v1 =	vld [tilespmem:s10+$0x4C60]  }
0x33: {  	v0 =	vld [tilespmem:s10+$0x4C70]  }
0x34: {  	v32 =	vld [tilespmem:s10+$0x0]  }
0x35: {  	v33 =	vld [tilespmem:s10+$0x10]  }
0x36: {  	v34 =	vld [tilespmem:s10+$0x20]  }
0x37: {  	v35 =	vld [tilespmem:s10+$0x30]  }
0x38: {  	v36 =	vld [tilespmem:s10+$0x40]  }
0x39: {  	v60 =	vld [tilespmem:s10+$0x50];
	v7 =	vadd.f32 v7, v32  }
0x3a: {  	v61 =	vld [tilespmem:s10+$0x60];
	v8 =	vadd.f32 v8, v33  }
0x3b: {  	v62 =	vld [tilespmem:s10+$0x70];
	v9 =	vadd.f32 v9, v34;
	v7 =	vmul.f32 $5.000000000e-01, v7  }
0x3c: {  	v63 =	vld [tilespmem:s10+$0x400];
	v10 =	vadd.f32 v10, v35;
	v8 =	vmul.f32 $5.000000000e-01, v8  }
0x3d: {  	[tilespmem:s10+$0x0] =	vst v7;
	v7 =	vmul.f32 $5.000000000e-01, v9;
	v9 =	vadd.f32 v11, v36;
	v11 =	vld [tilespmem:s10+$0x410]  }
0x3e: {  	[tilespmem:s10+$0x10] =	vst v8;
	v8 =	vmul.f32 $5.000000000e-01, v10;
	v10 =	vadd.f32 v12, v60;
	v12 =	vld [tilespmem:s10+$0x420]  }
0x3f: {  	[tilespmem:s10+$0x20] =	vst v7;
	v7 =	vmul.f32 $5.000000000e-01, v9;
	v9 =	vadd.f32 v13, v61;
	v13 =	vld [tilespmem:s10+$0x430]  }
0x40: {  	[tilespmem:s10+$0x30] =	vst v8;
	v8 =	vmul.f32 $5.000000000e-01, v10;
	v10 =	vadd.f32 v14, v62;
	v14 =	vld [tilespmem:s10+$0x440]  }
0x41: {  	[tilespmem:s10+$0x40] =	vst v7;
	v7 =	vmul.f32 $5.000000000e-01, v9;
	v9 =	vadd.f32 v15, v63;
	v15 =	vld [tilespmem:s10+$0x450]  }
0x42: {  	[tilespmem:s10+$0x50] =	vst v8;
	v8 =	vmul.f32 $5.000000000e-01, v10;
	v10 =	vadd.f32 v16, v11;
	v11 =	vld [tilespmem:s10+$0x460]  }
0x43: {  	[tilespmem:s10+$0x60] =	vst v7;
	v7 =	vmul.f32 $5.000000000e-01, v9;
	v9 =	vadd.f32 v17, v12;
	v12 =	vld [tilespmem:s10+$0x470]  }
0x44: {  	[tilespmem:s10+$0x70] =	vst v8;
	v8 =	vmul.f32 $5.000000000e-01, v10;
	v10 =	vadd.f32 v18, v13;
	v13 =	vld [tilespmem:s10+$0x800]  }
0x45: {  	[tilespmem:s10+$0x400] =	vst v7;
	v7 =	vmul.f32 $5.000000000e-01, v9;
	v9 =	vadd.f32 v19, v14;
	v14 =	vld [tilespmem:s10+$0x810]  }
0x46: {  	[tilespmem:s10+$0x410] =	vst v8;
	v8 =	vmul.f32 $5.000000000e-01, v10;
	v10 =	vadd.f32 v20, v15;
	v15 =	vld [tilespmem:s10+$0x820]  }
0x47: {  	[tilespmem:s10+$0x420] =	vst v7;
	v7 =	vmul.f32 $5.000000000e-01, v9;
	v9 =	vadd.f32 v21, v11;
	v11 =	vld [tilespmem:s10+$0x830]  }
0x48: {  	[tilespmem:s10+$0x430] =	vst v8;
	v8 =	vmul.f32 $5.000000000e-01, v10;
	v10 =	vadd.f32 v22, v12;
	v12 =	vld [tilespmem:s10+$0x840]  }
0x49: {  	[tilespmem:s10+$0x440] =	vst v7;
	v7 =	vmul.f32 $5.000000000e-01, v9;
	v9 =	vadd.f32 v23, v13;
	v13 =	vld [tilespmem:s10+$0x850]  }
0x4a: {  	[tilespmem:s10+$0x450] =	vst v8;
	v8 =	vmul.f32 $5.000000000e-01, v10;
	v10 =	vadd.f32 v24, v14;
	v14 =	vld [tilespmem:s10+$0x860]  }
0x4b: {  	[tilespmem:s10+$0x460] =	vst v7;
	v7 =	vmul.f32 $5.000000000e-01, v9;
	v9 =	vadd.f32 v25, v15;
	v15 =	vld [tilespmem:s10+$0x870]  }
0x4c: {  	v16 =	vld [tilespmem:s10+$0xC00];
	[tilespmem:s10+$0x470] =	vst v8;
	v8 =	vmul.f32 $5.000000000e-01, v10;
	v10 =	vadd.f32 v26, v11  }
0x4d: {  	v11 =	vld [tilespmem:s10+$0xC10];
	[tilespmem:s10+$0x800] =	vst v7;
	v7 =	vmul.f32 $5.000000000e-01, v9;
	v9 =	vadd.f32 v27, v12  }
0x4e: {  	[tilespmem:s10+$0x810] =	vst v8;
	v8 =	vmul.f32 $5.000000000e-01, v10;
	v12 =	vadd.f32 v28, v13;
	v10 =	vld [tilespmem:s10+$0xC20]  }
0x4f: {  	[tilespmem:s10+$0x820] =	vst v7;
	v7 =	vmul.f32 $5.000000000e-01, v9;
	v13 =	vadd.f32 v29, v14;
	v9 =	vld [tilespmem:s10+$0xC30]  }
0x50: {  	[tilespmem:s10+$0x830] =	vst v8;
	v14 =	vmul.f32 $5.000000000e-01, v12;
	v8 =	vld [tilespmem:s10+$0xC40];
	v15 =	vadd.f32 v30, v15  }
0x51: {  	s12 =	simm.s32 $0x200;
	s11 =	simm.s32 $0x80;
	[tilespmem:s10+$0x840] =	vst v7;
	v12 =	vmul.f32 $5.000000000e-01, v13;
	v13 =	vadd.f32 v31, v16;
	v7 =	vld [tilespmem:s10+$0xC50]  }
.LBB2_2:
0x52: {  	s13 =	sand.u32 $0x3000, s12;
	s14 =	sand.u32 $0x380, s11;
	p0 =	sne.s32 s12, $0x3E00;
	[tilespmem:s10+$0x850] =	vst v14;
	v14 =	vmul.f32 $5.000000000e-01, v15;
	v6 =	vadd.f32 v6, v11;
	v11 =	vld [tilespmem:s10+$0xC60]  }
0x53: {  	s13 =	sor.u32 s14, s13;
	[tilespmem:s10+$0x860] =	vst v12;
	v12 =	vmul.f32 $5.000000000e-01, v13;
	v5 =	vadd.f32 v5, v10;
	v10 =	vld [tilespmem:s10+$0xC70]  }
0x54: {  	v13 =	vld [tilespmem:s13+$0x4000];
	[tilespmem:s10+$0x870] =	vst v14;
	v6 =	vmul.f32 $5.000000000e-01, v6;
	v4 =	vadd.f32 v4, v9  }
0x55: {  	v14 =	vld [tilespmem:s13+$0x4010];
	[tilespmem:s10+$0xC00] =	vst v12;
	v5 =	vmul.f32 $5.000000000e-01, v5;
	v3 =	vadd.f32 v3, v8  }
0x56: {  	v12 =	vld [tilespmem:s13+$0x4020];
	[tilespmem:s10+$0xC10] =	vst v6;
	v4 =	vmul.f32 $5.000000000e-01, v4;
	v2 =	vadd.f32 v2, v7  }
0x57: {  	v15 =	vld [tilespmem:s13+$0x4030];
	[tilespmem:s10+$0xC20] =	vst v5;
	v3 =	vmul.f32 $5.000000000e-01, v3;
	v1 =	vadd.f32 v1, v11  }
0x58: {  	v16 =	vld [tilespmem:s13+$0x4040];
	[tilespmem:s10+$0xC30] =	vst v4;
	v2 =	vmul.f32 $5.000000000e-01, v2;
	v0 =	vadd.f32 v0, v10  }
0x59: {  	v17 =	vld [tilespmem:s13+$0x4050];
	[tilespmem:s10+$0xC40] =	vst v3;
	v1 =	vmul.f32 $5.000000000e-01, v1  }
0x5a: {  	v18 =	vld [tilespmem:s13+$0x4060];
	[tilespmem:s10+$0xC50] =	vst v2;
	v0 =	vmul.f32 $5.000000000e-01, v0  }
0x5b: {  	v19 =	vld [tilespmem:s13+$0x4070];
	[tilespmem:s10+$0xC60] =	vst v1  }
0x5c: {  	v20 =	vld [tilespmem:s13+$0x4400];
	[tilespmem:s10+$0xC70] =	vst v0;
	s10 =	smov.u32 s13  }
0x5d: {  	v21 =	vld [tilespmem:s10+$0x4410]  }
0x5e: {  	v22 =	vld [tilespmem:s10+$0x4420]  }
0x5f: {  	v23 =	vld [tilespmem:s10+$0x4430]  }
0x60: {  	v24 =	vld [tilespmem:s10+$0x4440]  }
0x61: {  	v25 =	vld [tilespmem:s10+$0x4450]  }
0x62: {  	v26 =	vld [tilespmem:s10+$0x4460]  }
0x63: {  	v27 =	vld [tilespmem:s10+$0x4470]  }
0x64: {  	v28 =	vld [tilespmem:s10+$0x4800]  }
0x65: {  	v29 =	vld [tilespmem:s10+$0x4810]  }
0x66: {  	v30 =	vld [tilespmem:s10+$0x4820]  }
0x67: {  	v31 =	vld [tilespmem:s10+$0x4830]  }
0x68: {  	v11 =	vld [tilespmem:s10+$0x4840]  }
0x69: {  	v10 =	vld [tilespmem:s10+$0x4850]  }
0x6a: {  	v9 =	vld [tilespmem:s10+$0x4860]  }
0x6b: {  	v8 =	vld [tilespmem:s10+$0x4870]  }
0x6c: {  	v7 =	vld [tilespmem:s10+$0x4C00]  }
0x6d: {  	v6 =	vld [tilespmem:s10+$0x4C10]  }
0x6e: {  	v5 =	vld [tilespmem:s10+$0x4C20]  }
0x6f: {  	v4 =	vld [tilespmem:s10+$0x4C30]  }
0x70: {  	v3 =	vld [tilespmem:s10+$0x4C40]  }
0x71: {  	v2 =	vld [tilespmem:s10+$0x4C50]  }
0x72: {  	v1 =	vld [tilespmem:s10+$0x4C60]  }
0x73: {  	v0 =	vld [tilespmem:s10+$0x4C70]  }
0x74: {  	v32 =	vld [tilespmem:s10+$0x0]  }
0x75: {  	v33 =	vld [tilespmem:s10+$0x10]  }
0x76: {  	v34 =	vld [tilespmem:s10+$0x20]  }
0x77: {  	v35 =	vld [tilespmem:s10+$0x30]  }
0x78: {  	v36 =	vld [tilespmem:s10+$0x40]  }
0x79: {  	v13 =	vadd.f32 v13, v32;
	v32 =	vld [tilespmem:s10+$0x50]  }
0x7a: {  	v14 =	vadd.f32 v14, v33;
	v33 =	vld [tilespmem:s10+$0x60]  }
0x7b: {  	v13 =	vmul.f32 $5.000000000e-01, v13;
	v12 =	vadd.f32 v12, v34;
	v34 =	vld [tilespmem:s10+$0x70]  }
0x7c: {  	v14 =	vmul.f32 $5.000000000e-01, v14;
	v15 =	vadd.f32 v15, v35;
	v35 =	vld [tilespmem:s10+$0x400]  }
0x7d: {  	[tilespmem:s10+$0x0] =	vst v13;
	v12 =	vmul.f32 $5.000000000e-01, v12;
	v13 =	vadd.f32 v16, v36;
	v16 =	vld [tilespmem:s10+$0x410]  }
0x7e: {  	[tilespmem:s10+$0x10] =	vst v14;
	v14 =	vmul.f32 $5.000000000e-01, v15;
	v15 =	vadd.f32 v17, v32;
	v17 =	vld [tilespmem:s10+$0x420]  }
0x7f: {  	[tilespmem:s10+$0x20] =	vst v12;
	v12 =	vmul.f32 $5.000000000e-01, v13;
	v13 =	vadd.f32 v18, v33;
	v18 =	vld [tilespmem:s10+$0x430]  }
0x80: {  	[tilespmem:s10+$0x30] =	vst v14;
	v14 =	vmul.f32 $5.000000000e-01, v15;
	v15 =	vadd.f32 v19, v34;
	v19 =	vld [tilespmem:s10+$0x440]  }
0x81: {  	[tilespmem:s10+$0x40] =	vst v12;
	v12 =	vmul.f32 $5.000000000e-01, v13;
	v13 =	vadd.f32 v20, v35;
	v20 =	vld [tilespmem:s10+$0x450]  }
0x82: {  	[tilespmem:s10+$0x50] =	vst v14;
	v14 =	vmul.f32 $5.000000000e-01, v15;
	v15 =	vadd.f32 v21, v16;
	v16 =	vld [tilespmem:s10+$0x460]  }
0x83: {  	[tilespmem:s10+$0x60] =	vst v12;
	v12 =	vmul.f32 $5.000000000e-01, v13;
	v13 =	vadd.f32 v22, v17;
	v17 =	vld [tilespmem:s10+$0x470]  }
0x84: {  	[tilespmem:s10+$0x70] =	vst v14;
	v14 =	vmul.f32 $5.000000000e-01, v15;
	v15 =	vadd.f32 v23, v18;
	v18 =	vld [tilespmem:s10+$0x800]  }
0x85: {  	[tilespmem:s10+$0x400] =	vst v12;
	v12 =	vmul.f32 $5.000000000e-01, v13;
	v13 =	vadd.f32 v24, v19;
	v19 =	vld [tilespmem:s10+$0x810]  }
0x86: {  	[tilespmem:s10+$0x410] =	vst v14;
	v14 =	vmul.f32 $5.000000000e-01, v15;
	v15 =	vadd.f32 v25, v20;
	v20 =	vld [tilespmem:s10+$0x820]  }
0x87: {  	[tilespmem:s10+$0x420] =	vst v12;
	v12 =	vmul.f32 $5.000000000e-01, v13;
	v13 =	vadd.f32 v26, v16;
	v16 =	vld [tilespmem:s10+$0x830]  }
0x88: {  	[tilespmem:s10+$0x430] =	vst v14;
	v14 =	vmul.f32 $5.000000000e-01, v15;
	v15 =	vadd.f32 v27, v17;
	v17 =	vld [tilespmem:s10+$0x840]  }
0x89: {  	[tilespmem:s10+$0x440] =	vst v12;
	v12 =	vmul.f32 $5.000000000e-01, v13;
	v13 =	vadd.f32 v28, v18;
	v18 =	vld [tilespmem:s10+$0x850]  }
0x8a: {  	[tilespmem:s10+$0x450] =	vst v14;
	v14 =	vmul.f32 $5.000000000e-01, v15;
	v15 =	vadd.f32 v29, v19;
	v19 =	vld [tilespmem:s10+$0x860]  }
0x8b: {  	[tilespmem:s10+$0x460] =	vst v12;
	v12 =	vmul.f32 $5.000000000e-01, v13;
	v13 =	vadd.f32 v30, v20;
	v20 =	vld [tilespmem:s10+$0x870]  }
0x8c: {  	[tilespmem:s10+$0x470] =	vst v14;
	v14 =	vmul.f32 $5.000000000e-01, v15;
	v15 =	vadd.f32 v31, v16;
	v16 =	vld [tilespmem:s10+$0xC00]  }
.Ltmp0:
0x8d: {  	[tilespmem:s10+$0x800] =	vst v12;
	v12 =	vmul.f32 $5.000000000e-01, v13;
	v13 =	vadd.f32 v11, v17;
	v11 =	vld [tilespmem:s10+$0xC10];
	(pc) =	sbr.rel @p0 .LBB2_2-.Ltmp0, $4  }
0x8e: {  	[tilespmem:s10+$0x810] =	vst v14;
	v14 =	vmul.f32 $5.000000000e-01, v15;
	v15 =	vadd.f32 v10, v18;
	v10 =	vld [tilespmem:s10+$0xC20]  }
0x8f: {  	[tilespmem:s10+$0x820] =	vst v12;
	v12 =	vmul.f32 $5.000000000e-01, v13;
	v13 =	vadd.f32 v9, v19;
	v9 =	vld [tilespmem:s10+$0xC30]  }
0x90: {  	[tilespmem:s10+$0x830] =	vst v14;
	v14 =	vmul.f32 $5.000000000e-01, v15;
	v15 =	vadd.f32 v8, v20;
	v8 =	vld [tilespmem:s10+$0xC40]  }
0x91: {  	s11 =	sadd.s32 $0x80, s11;
	s12 =	sadd.s32 $0x200, s12;
	[tilespmem:s10+$0x840] =	vst v12;
	v12 =	vmul.f32 $5.000000000e-01, v13;
	v13 =	vadd.f32 v7, v16;
	v7 =	vld [tilespmem:s10+$0xC50]  }
0x92: {  	[tilespmem:s10+$0x850] =	vst v14;
	v60 =	vmul.f32 $5.000000000e-01, v15;
	v6 =	vadd.f32 v6, v11;
	v61 =	vld [tilespmem:s10+$0xC60]  }
0x93: {  	v63 =	vld [tilespmem:s10+$0xC70];
	[tilespmem:s10+$0x860] =	vst v12;
	v62 =	vmul.f32 $5.000000000e-01, v13;
	v5 =	vadd.f32 v5, v10  }
0x94: {  	[tilespmem:s10+$0x870] =	vst v60;
	v6 =	vmul.f32 $5.000000000e-01, v6;
	v4 =	vadd.f32 v4, v9  }
0x95: {  	[tilespmem:s10+$0xC00] =	vst v62;
	v5 =	vmul.f32 $5.000000000e-01, v5;
	v3 =	vadd.f32 v3, v8  }
0x96: {  	[tilespmem:s10+$0xC10] =	vst v6;
	v4 =	vmul.f32 $5.000000000e-01, v4;
	v2 =	vadd.f32 v2, v7  }
0x97: {  	[tilespmem:s10+$0xC20] =	vst v5;
	v3 =	vmul.f32 $5.000000000e-01, v3;
	v1 =	vadd.f32 v1, v61  }
0x98: {  	v0 =	vadd.f32 v0, v63;
	[tilespmem:s10+$0xC30] =	vst v4;
	v2 =	vmul.f32 $5.000000000e-01, v2  }
0x99: {  	[tilespmem:s10+$0xC40] =	vst v3;
	v1 =	vmul.f32 $5.000000000e-01, v1  }
0x9a: {  	s9 =	sadd.s32 $0x1, s9;
	v0 =	vmul.f32 $5.000000000e-01, v0;
	[tilespmem:s10+$0xC50] =	vst v2  }
0x9b: {  	p0 =	sne.s32 s9, s6;
	[tilespmem:s10+$0xC60] =	vst v1  }
.Ltmp1:
0x9c: {  	[tilespmem:s10+$0xC70] =	vst v0;
	(pc) =	sbr.rel @p0 .LBB2_1-.Ltmp1, $4  }
0x9d: {  	[hbm4b:s5+s2] =	stream.linear.scatter [tilespmem:s2], [sflag:$0x1], $0x4000, $0x38;
	[tilespmem:$0x8000] =	vst v63  }
0x9e: {  	_ =	swait.ge [sflag:s8], $0x4000  }
0x9f: {  	[sflag:s8] =	ssyncset.done $0x0  }
0xa0: {  	[sflag:s8] =	ssyncadd.s32 $0xFFFFC000  }
0xa1: {  	_ =	sfence.sel $0x180000  }
0xa2: {  	[bflag:$0x0] =	sbarrier.arrive $0xFFFF  }
0xa3: {  	p0 =	sne.s32 s1, $0x0;
	_ =	strace $0x90000047  }
0xa4: {  	s0 =	sadd.s32 @!p0 $0x100000, s0;
	[bflag:$0x2] =	sbarrier.arrive $0xFFFF  }
0xa5: {  	[sflag:s0] =	ssyncadd.tile.s32 @!p0 $0x1;
	_ =	shalt  }
.Lfunc_end2:
_tile_overlayer_lowered:
.L_overlay_start_2:
0xa6: {  	(tag) =	ssettag $0x2  }
0xa7: {  	s0 =	rddreg [dreg:$0x0];
	s2 =	stileid.u32  }
0xa8: {  	s1 =	rddreg [dreg:$0x1];
	p0 =	sne.s32 s2, $0x0  }
0xa9: {  	s3 =	rddreg [dreg:$0x2];
	[bflag:$0x3] =	sbarrier.arrive $0xFFFF;
	s2 =	simm.s32 @!p0 $0x1C02  }
0xaa: {  	[timem:s3], [sflag:s2] =	dma.local @!p0 [hbm:s0], s1  }
0xab: {  	s0 =	simm.s32 @!p0 $0x2  }
0xac: {  	_ =	swait.ge @!p0 [sflag:s0], s1  }
0xad: {  	s1 =	ssub.s32 @!p0 $0x0, s1;
	[sflag:s0] =	ssyncset.done @!p0 $0x0  }
0xae: {  	[sflag:s0] =	ssyncadd.s32 @!p0 s1  }
0xaf: {  	[bflag:$0x3] =	sbarrier.arrive $0xFFFF  }
0xb0: {  	_ =	shalt  }

</sc_bundles>
